<compile_context>
chip_gen: v7x
topology: tpu7x:2x2x1
jax: 0.10.2.dev20260603
libtpu: 0.0.44.dev20260713+nightly
codegen_flags: <defaults>
</compile_context>

<pallas_src>
import functools

import jax
import jax.numpy as jnp
from jax import lax
from jax.experimental import pallas as pl
from jax.experimental.pallas import tpu as pltpu
from jax.experimental.pallas import tpu_sc as plsc

_NC = 2
_NS = 16
_L = 16
_NW = _NC * _NS


def _make_kernel(N, D, E, K, NBUF):
    PW = E // _NW
    NCHUNK = PW // K

    mesh = plsc.VectorSubcoreMesh(core_axis_name="c", subcore_axis_name="s")

    scratch = [
        pltpu.VMEM((PW,), jnp.int32),
        pltpu.VMEM((PW,), jnp.int32),
    ]
    scratch += [pltpu.VMEM((K, D), jnp.float32) for _ in range(2 * NBUF)]
    scratch += [pltpu.VMEM((K,), jnp.float32) for _ in range(NBUF)]
    scratch += [pltpu.SemaphoreType.DMA for _ in range(NBUF)]
    scratch += [pltpu.SemaphoreType.DMA for _ in range(NBUF)]
    scratch += [pltpu.SemaphoreType.DMA, pltpu.SemaphoreType.DMA]

    @functools.partial(
        pl.kernel,
        out_type=jax.ShapeDtypeStruct((E,), jnp.float32),
        mesh=mesh,
        scratch_types=scratch,
        compiler_params=pltpu.CompilerParams(needs_layout_passes=False),
    )
    def ip_decoder(z_hbm, src_hbm, dst_hbm, out_hbm, sidx_v, didx_v, *bufs):
        srow = bufs[0:NBUF]
        drow = bufs[NBUF:2 * NBUF]
        obuf = bufs[2 * NBUF:3 * NBUF]
        sems = bufs[3 * NBUF:4 * NBUF]
        osems = bufs[4 * NBUF:5 * NBUF]
        isem_s, isem_d = bufs[5 * NBUF], bufs[5 * NBUF + 1]
        wid = lax.axis_index("s") * _NC + lax.axis_index("c")
        base = wid * PW

        pltpu.async_copy(src_hbm.at[pl.ds(base, PW)], sidx_v, isem_s)
        pltpu.async_copy(dst_hbm.at[pl.ds(base, PW)], didx_v, isem_d)
        pltpu.make_async_copy(src_hbm.at[pl.ds(base, PW)], sidx_v, isem_s).wait()
        pltpu.make_async_copy(dst_hbm.at[pl.ds(base, PW)], didx_v, isem_d).wait()

        def fire(c, j):
            pltpu.async_copy(z_hbm.at[sidx_v.at[pl.ds(c * K, K)]], srow[j], sems[j])
            return pltpu.async_copy(z_hbm.at[didx_v.at[pl.ds(c * K, K)]], drow[j], sems[j])

        def drain(c, j):
            pltpu.make_async_copy(z_hbm.at[sidx_v.at[pl.ds(c * K, K)]], srow[j], sems[j]).wait()
            pltpu.make_async_copy(z_hbm.at[didx_v.at[pl.ds(c * K, K)]], drow[j], sems[j]).wait()

        def owait(c, j):
            pltpu.make_async_copy(
                obuf[j], out_hbm.at[pl.ds(base + c * K, K)], osems[j]).wait()

        def compute(c, j):
            lanes = lax.iota(jnp.int32, _L)
            zeros = jnp.zeros((_L,), jnp.float32)
            for g in range(K // _L):
                obuf[j][pl.ds(g * _L, _L)] = zeros

            @plsc.parallel_loop(0, K, 1, unroll=1)
            def istep(i):
                g16 = jnp.bitwise_and(i, ~(_L - 1))
                t = jnp.bitwise_and(i, _L - 1)
                rows = lanes + g16
                colb = jnp.bitwise_and(lanes + t, _L - 1)
                part = []
                for blk in range(0, D // _L, 2):
                    c0 = colb + (blk * _L)
                    c1 = colb + ((blk + 1) * _L)
                    s0 = plsc.load_gather(srow[j], [rows, c0])
                    d0 = plsc.load_gather(drow[j], [rows, c0])
                    s1 = plsc.load_gather(srow[j], [rows, c1])
                    d1 = plsc.load_gather(drow[j], [rows, c1])
                    part.append(s0 * d0 + s1 * d1)
                psum = (part[0] + part[1]) + (part[2] + part[3])
                plsc.addupdate_scatter(obuf[j], [rows], psum)

            for g in range(K // _L):
                v = obuf[j][pl.ds(g * _L, _L)]
                obuf[j][pl.ds(g * _L, _L)] = 1.0 / (1.0 + jnp.exp(-v))
            pltpu.async_copy(obuf[j], out_hbm.at[pl.ds(base + c * K, K)],
                             osems[j])

        for j in range(NBUF):
            fire(j, j)

        NITER = NCHUNK // NBUF

        def ring_body(i, carry):
            for j in range(NBUF):
                c = i * NBUF + j
                drain(c, j)

                @pl.when(c >= NBUF)
                def _():
                    owait(c - NBUF, j)

                compute(c, j)

                @pl.when(c + NBUF < NCHUNK)
                def _():
                    fire(c + NBUF, j)
            return carry

        lax.fori_loop(0, NITER, ring_body, 0)

        rem = NCHUNK - NITER * NBUF
        for r in range(rem):
            c = NITER * NBUF + r
            j = c % NBUF
            drain(c, j)
            if c >= NBUF:
                owait(c - NBUF, j)
            compute(c, j)

        for j in range(NBUF):
            c = NCHUNK - NBUF + j
            owait(c, c % NBUF)

    return ip_decoder


def kernel(z, edge_index):
    N, D = z.shape
    E = edge_index.shape[1]
    K = 80
    src = edge_index[0]
    dst = edge_index[1]
    fn = _make_kernel(N, D, E, K, 5)
    return fn(z, src, dst)

# --- scband reference (transcript-rebuilt; emitter-appended) ---
"""Pipeline reference for scband-inner-product-decoder-28209345200601 (READ-ONLY COPY).

The authoritative reference and input builder live on the scoring server;
editing this copy changes nothing except your own understanding.
"""

import jax, jax.numpy as jnp
import numpy as np


def setup_inputs(seed: int = 0) -> dict:
    key = jax.random.key(seed)
    k1, k2 = jax.random.split(key)
    z = jax.random.normal(k1, (10000, 128), dtype=jnp.float32)
    edge_index = jax.random.randint(k2, (2, 320000), 0, 10000, dtype=jnp.int32)
    return {"z": z, "edge_index": edge_index}


def reference(z, edge_index):
    # InnerProductDecoder forward with edge_index provided:
    # out = sigmoid(sum(z[edge_index[0]] * z[edge_index[1]], dim=1))
    src = jnp.take(z, edge_index[0], axis=0)
    dst = jnp.take(z, edge_index[1], axis=0)
    out = jnp.sum(src * dst, axis=1)
    return jax.nn.sigmoid(out)

if __name__ == "__main__":
    import jax
    _d = setup_inputs()
    print(jax.jit(kernel)(*tuple(_d.values())))

</pallas_src>

<mosaic_0001>
#map = affine_map<(d0, d1) -> (0, 0)>
#map1 = affine_map<(d0, d1) -> (0)>
module attributes {stable_mosaic.version = 14 : i64} {
  func.func @ip_decoder(%arg0: i32, %arg1: i32, %arg2: memref<10000x128xf32, #tpu.memory_space<hbm>>, %arg3: memref<320000xi32, #tpu.memory_space<hbm>>, %arg4: memref<320000xi32, #tpu.memory_space<hbm>>, %arg5: memref<320000xf32, #tpu.memory_space<hbm>>, %arg6: memref<10000xi32, #tpu.memory_space<vmem>>, %arg7: memref<10000xi32, #tpu.memory_space<vmem>>, %arg8: memref<80x128xf32, #tpu.memory_space<vmem>>, %arg9: memref<80x128xf32, #tpu.memory_space<vmem>>, %arg10: memref<80x128xf32, #tpu.memory_space<vmem>>, %arg11: memref<80x128xf32, #tpu.memory_space<vmem>>, %arg12: memref<80x128xf32, #tpu.memory_space<vmem>>, %arg13: memref<80x128xf32, #tpu.memory_space<vmem>>, %arg14: memref<80x128xf32, #tpu.memory_space<vmem>>, %arg15: memref<80x128xf32, #tpu.memory_space<vmem>>, %arg16: memref<80x128xf32, #tpu.memory_space<vmem>>, %arg17: memref<80x128xf32, #tpu.memory_space<vmem>>, %arg18: memref<80xf32, #tpu.memory_space<vmem>>, %arg19: memref<80xf32, #tpu.memory_space<vmem>>, %arg20: memref<80xf32, #tpu.memory_space<vmem>>, %arg21: memref<80xf32, #tpu.memory_space<vmem>>, %arg22: memref<80xf32, #tpu.memory_space<vmem>>, %arg23: memref<!tpu.dma_semaphore, #tpu.memory_space<semaphore_mem>>, %arg24: memref<!tpu.dma_semaphore, #tpu.memory_space<semaphore_mem>>, %arg25: memref<!tpu.dma_semaphore, #tpu.memory_space<semaphore_mem>>, %arg26: memref<!tpu.dma_semaphore, #tpu.memory_space<semaphore_mem>>, %arg27: memref<!tpu.dma_semaphore, #tpu.memory_space<semaphore_mem>>, %arg28: memref<!tpu.dma_semaphore, #tpu.memory_space<semaphore_mem>>, %arg29: memref<!tpu.dma_semaphore, #tpu.memory_space<semaphore_mem>>, %arg30: memref<!tpu.dma_semaphore, #tpu.memory_space<semaphore_mem>>, %arg31: memref<!tpu.dma_semaphore, #tpu.memory_space<semaphore_mem>>, %arg32: memref<!tpu.dma_semaphore, #tpu.memory_space<semaphore_mem>>, %arg33: memref<!tpu.dma_semaphore, #tpu.memory_space<semaphore_mem>>, %arg34: memref<!tpu.dma_semaphore, #tpu.memory_space<semaphore_mem>>) attributes {dimension_semantics = [#tpu.dimension_semantics<core_parallel>, #tpu.dimension_semantics<subcore_parallel>], iteration_bounds = array<i64: 2, 16>, scalar_prefetch = 0 : i64, scratch_operands = 29 : i64, tpu.core_type = #tpu.core_type<sc_vector_subcore>, window_params = [{transform_indices = #map}, {transform_indices = #map1}, {transform_indices = #map1}, {transform_indices = #map1}]} {
    %mul3A = arith.constant 2 : i32
    %mul3A_0 = arith.muli %arg1, %mul3A : i32
    %add3A = arith.addi %mul3A_0, %arg0 : i32
    %mul3A_1 = arith.constant 10000 : i32
    %mul3A_2 = arith.muli %add3A, %mul3A_1 : i32
    %dma_start3A = tpu.memref_slice %arg3[%mul3A_2] : memref<320000xi32, #tpu.memory_space<hbm>> -> memref<10000xi32, #tpu.memory_space<hbm>>
    %dma_start3A_3 = tpu.memref_slice %arg3[%mul3A_2] : memref<320000xi32, #tpu.memory_space<hbm>> -> memref<10000xi32, #tpu.memory_space<hbm>>
    tpu.enqueue_dma source(%dma_start3A_3 : memref<10000xi32, #tpu.memory_space<hbm>>) target(%arg6 : memref<10000xi32, #tpu.memory_space<vmem>>) target_semaphore(%arg33 : memref<!tpu.dma_semaphore, #tpu.memory_space<semaphore_mem>>)
    %dma_start3A_4 = tpu.memref_slice %arg4[%mul3A_2] : memref<320000xi32, #tpu.memory_space<hbm>> -> memref<10000xi32, #tpu.memory_space<hbm>>
    %dma_start3A_5 = tpu.memref_slice %arg4[%mul3A_2] : memref<320000xi32, #tpu.memory_space<hbm>> -> memref<10000xi32, #tpu.memory_space<hbm>>
    tpu.enqueue_dma source(%dma_start3A_5 : memref<10000xi32, #tpu.memory_space<hbm>>) target(%arg7 : memref<10000xi32, #tpu.memory_space<vmem>>) target_semaphore(%arg34 : memref<!tpu.dma_semaphore, #tpu.memory_space<semaphore_mem>>)
    %dma_wait3A = tpu.memref_slice %arg3[%mul3A_2] : memref<320000xi32, #tpu.memory_space<hbm>> -> memref<10000xi32, #tpu.memory_space<hbm>>
    %dma_wait3A_6 = tpu.memref_slice %arg3[%mul3A_2] : memref<320000xi32, #tpu.memory_space<hbm>> -> memref<10000xi32, #tpu.memory_space<hbm>>
    tpu.wait_dma2 semaphore(%arg33 : memref<!tpu.dma_semaphore, #tpu.memory_space<semaphore_mem>>) src(%dma_wait3A_6 : memref<10000xi32, #tpu.memory_space<hbm>>) dst(%arg6 : memref<10000xi32, #tpu.memory_space<vmem>>)
    %dma_wait3A_7 = tpu.memref_slice %arg4[%mul3A_2] : memref<320000xi32, #tpu.memory_space<hbm>> -> memref<10000xi32, #tpu.memory_space<hbm>>
    %dma_wait3A_8 = tpu.memref_slice %arg4[%mul3A_2] : memref<320000xi32, #tpu.memory_space<hbm>> -> memref<10000xi32, #tpu.memory_space<hbm>>
    tpu.wait_dma2 semaphore(%arg34 : memref<!tpu.dma_semaphore, #tpu.memory_space<semaphore_mem>>) src(%dma_wait3A_8 : memref<10000xi32, #tpu.memory_space<hbm>>) dst(%arg7 : memref<10000xi32, #tpu.memory_space<vmem>>)
    %dma_start3A_9 = arith.constant 0 : i32
    %dma_start3A_10 = tpu.memref_slice %arg6[%dma_start3A_9] : memref<10000xi32, #tpu.memory_space<vmem>> -> memref<80xi32, #tpu.memory_space<vmem>>
    %dma_start3A_11 = arith.constant 0 : i32
    %dma_start3A_12 = arith.constant 0 : i32
    %dma_start3A_13 = tpu.memref_slice %arg2[%dma_start3A_11, %dma_start3A_12] : memref<10000x128xf32, #tpu.memory_space<hbm>> -> memref<10000x128xf32, #tpu.memory_space<hbm>>
    tpu.enqueue_indirect_dma source(%dma_start3A_13 : memref<10000x128xf32, #tpu.memory_space<hbm>>) target(%arg8 : memref<80x128xf32, #tpu.memory_space<vmem>>) offsets(%dma_start3A_10 : memref<80xi32, #tpu.memory_space<vmem>>) semaphore(%arg23 : memref<!tpu.dma_semaphore, #tpu.memory_space<semaphore_mem>>)
    %dma_start3A_14 = arith.constant 0 : i32
    %dma_start3A_15 = tpu.memref_slice %arg7[%dma_start3A_14] : memref<10000xi32, #tpu.memory_space<vmem>> -> memref<80xi32, #tpu.memory_space<vmem>>
    %dma_start3A_16 = arith.constant 0 : i32
    %dma_start3A_17 = arith.constant 0 : i32
    %dma_start3A_18 = tpu.memref_slice %arg2[%dma_start3A_16, %dma_start3A_17] : memref<10000x128xf32, #tpu.memory_space<hbm>> -> memref<10000x128xf32, #tpu.memory_space<hbm>>
    tpu.enqueue_indirect_dma source(%dma_start3A_18 : memref<10000x128xf32, #tpu.memory_space<hbm>>) target(%arg13 : memref<80x128xf32, #tpu.memory_space<vmem>>) offsets(%dma_start3A_15 : memref<80xi32, #tpu.memory_space<vmem>>) semaphore(%arg23 : memref<!tpu.dma_semaphore, #tpu.memory_space<semaphore_mem>>)
    %dma_start3A_19 = arith.constant 80 : i32
    %dma_start3A_20 = tpu.memref_slice %arg6[%dma_start3A_19] : memref<10000xi32, #tpu.memory_space<vmem>> -> memref<80xi32, #tpu.memory_space<vmem>>
    %dma_start3A_21 = arith.constant 0 : i32
    %dma_start3A_22 = arith.constant 0 : i32
    %dma_start3A_23 = tpu.memref_slice %arg2[%dma_start3A_21, %dma_start3A_22] : memref<10000x128xf32, #tpu.memory_space<hbm>> -> memref<10000x128xf32, #tpu.memory_space<hbm>>
    tpu.enqueue_indirect_dma source(%dma_start3A_23 : memref<10000x128xf32, #tpu.memory_space<hbm>>) target(%arg9 : memref<80x128xf32, #tpu.memory_space<vmem>>) offsets(%dma_start3A_20 : memref<80xi32, #tpu.memory_space<vmem>>) semaphore(%arg24 : memref<!tpu.dma_semaphore, #tpu.memory_space<semaphore_mem>>)
    %dma_start3A_24 = arith.constant 80 : i32
    %dma_start3A_25 = tpu.memref_slice %arg7[%dma_start3A_24] : memref<10000xi32, #tpu.memory_space<vmem>> -> memref<80xi32, #tpu.memory_space<vmem>>
    %dma_start3A_26 = arith.constant 0 : i32
    %dma_start3A_27 = arith.constant 0 : i32
    %dma_start3A_28 = tpu.memref_slice %arg2[%dma_start3A_26, %dma_start3A_27] : memref<10000x128xf32, #tpu.memory_space<hbm>> -> memref<10000x128xf32, #tpu.memory_space<hbm>>
    tpu.enqueue_indirect_dma source(%dma_start3A_28 : memref<10000x128xf32, #tpu.memory_space<hbm>>) target(%arg14 : memref<80x128xf32, #tpu.memory_space<vmem>>) offsets(%dma_start3A_25 : memref<80xi32, #tpu.memory_space<vmem>>) semaphore(%arg24 : memref<!tpu.dma_semaphore, #tpu.memory_space<semaphore_mem>>)
    %dma_start3A_29 = arith.constant 160 : i32
    %dma_start3A_30 = tpu.memref_slice %arg6[%dma_start3A_29] : memref<10000xi32, #tpu.memory_space<vmem>> -> memref<80xi32, #tpu.memory_space<vmem>>
    %dma_start3A_31 = arith.constant 0 : i32
    %dma_start3A_32 = arith.constant 0 : i32
    %dma_start3A_33 = tpu.memref_slice %arg2[%dma_start3A_31, %dma_start3A_32] : memref<10000x128xf32, #tpu.memory_space<hbm>> -> memref<10000x128xf32, #tpu.memory_space<hbm>>
    tpu.enqueue_indirect_dma source(%dma_start3A_33 : memref<10000x128xf32, #tpu.memory_space<hbm>>) target(%arg10 : memref<80x128xf32, #tpu.memory_space<vmem>>) offsets(%dma_start3A_30 : memref<80xi32, #tpu.memory_space<vmem>>) semaphore(%arg25 : memref<!tpu.dma_semaphore, #tpu.memory_space<semaphore_mem>>)
    %dma_start3A_34 = arith.constant 160 : i32
    %dma_start3A_35 = tpu.memref_slice %arg7[%dma_start3A_34] : memref<10000xi32, #tpu.memory_space<vmem>> -> memref<80xi32, #tpu.memory_space<vmem>>
    %dma_start3A_36 = arith.constant 0 : i32
    %dma_start3A_37 = arith.constant 0 : i32
    %dma_start3A_38 = tpu.memref_slice %arg2[%dma_start3A_36, %dma_start3A_37] : memref<10000x128xf32, #tpu.memory_space<hbm>> -> memref<10000x128xf32, #tpu.memory_space<hbm>>
    tpu.enqueue_indirect_dma source(%dma_start3A_38 : memref<10000x128xf32, #tpu.memory_space<hbm>>) target(%arg15 : memref<80x128xf32, #tpu.memory_space<vmem>>) offsets(%dma_start3A_35 : memref<80xi32, #tpu.memory_space<vmem>>) semaphore(%arg25 : memref<!tpu.dma_semaphore, #tpu.memory_space<semaphore_mem>>)
    %dma_start3A_39 = arith.constant 240 : i32
    %dma_start3A_40 = tpu.memref_slice %arg6[%dma_start3A_39] : memref<10000xi32, #tpu.memory_space<vmem>> -> memref<80xi32, #tpu.memory_space<vmem>>
    %dma_start3A_41 = arith.constant 0 : i32
    %dma_start3A_42 = arith.constant 0 : i32
    %dma_start3A_43 = tpu.memref_slice %arg2[%dma_start3A_41, %dma_start3A_42] : memref<10000x128xf32, #tpu.memory_space<hbm>> -> memref<10000x128xf32, #tpu.memory_space<hbm>>
    tpu.enqueue_indirect_dma source(%dma_start3A_43 : memref<10000x128xf32, #tpu.memory_space<hbm>>) target(%arg11 : memref<80x128xf32, #tpu.memory_space<vmem>>) offsets(%dma_start3A_40 : memref<80xi32, #tpu.memory_space<vmem>>) semaphore(%arg26 : memref<!tpu.dma_semaphore, #tpu.memory_space<semaphore_mem>>)
    %dma_start3A_44 = arith.constant 240 : i32
    %dma_start3A_45 = tpu.memref_slice %arg7[%dma_start3A_44] : memref<10000xi32, #tpu.memory_space<vmem>> -> memref<80xi32, #tpu.memory_space<vmem>>
    %dma_start3A_46 = arith.constant 0 : i32
    %dma_start3A_47 = arith.constant 0 : i32
    %dma_start3A_48 = tpu.memref_slice %arg2[%dma_start3A_46, %dma_start3A_47] : memref<10000x128xf32, #tpu.memory_space<hbm>> -> memref<10000x128xf32, #tpu.memory_space<hbm>>
    tpu.enqueue_indirect_dma source(%dma_start3A_48 : memref<10000x128xf32, #tpu.memory_space<hbm>>) target(%arg16 : memref<80x128xf32, #tpu.memory_space<vmem>>) offsets(%dma_start3A_45 : memref<80xi32, #tpu.memory_space<vmem>>) semaphore(%arg26 : memref<!tpu.dma_semaphore, #tpu.memory_space<semaphore_mem>>)
    %dma_start3A_49 = arith.constant 320 : i32
    %dma_start3A_50 = tpu.memref_slice %arg6[%dma_start3A_49] : memref<10000xi32, #tpu.memory_space<vmem>> -> memref<80xi32, #tpu.memory_space<vmem>>
    %dma_start3A_51 = arith.constant 0 : i32
    %dma_start3A_52 = arith.constant 0 : i32
    %dma_start3A_53 = tpu.memref_slice %arg2[%dma_start3A_51, %dma_start3A_52] : memref<10000x128xf32, #tpu.memory_space<hbm>> -> memref<10000x128xf32, #tpu.memory_space<hbm>>
    tpu.enqueue_indirect_dma source(%dma_start3A_53 : memref<10000x128xf32, #tpu.memory_space<hbm>>) target(%arg12 : memref<80x128xf32, #tpu.memory_space<vmem>>) offsets(%dma_start3A_50 : memref<80xi32, #tpu.memory_space<vmem>>) semaphore(%arg27 : memref<!tpu.dma_semaphore, #tpu.memory_space<semaphore_mem>>)
    %dma_start3A_54 = arith.constant 320 : i32
    %dma_start3A_55 = tpu.memref_slice %arg7[%dma_start3A_54] : memref<10000xi32, #tpu.memory_space<vmem>> -> memref<80xi32, #tpu.memory_space<vmem>>
    %dma_start3A_56 = arith.constant 0 : i32
    %dma_start3A_57 = arith.constant 0 : i32
    %dma_start3A_58 = tpu.memref_slice %arg2[%dma_start3A_56, %dma_start3A_57] : memref<10000x128xf32, #tpu.memory_space<hbm>> -> memref<10000x128xf32, #tpu.memory_space<hbm>>
    tpu.enqueue_indirect_dma source(%dma_start3A_58 : memref<10000x128xf32, #tpu.memory_space<hbm>>) target(%arg17 : memref<80x128xf32, #tpu.memory_space<vmem>>) offsets(%dma_start3A_55 : memref<80xi32, #tpu.memory_space<vmem>>) semaphore(%arg27 : memref<!tpu.dma_semaphore, #tpu.memory_space<semaphore_mem>>)
    %scan3A = arith.constant 0 : i32
    %scan3A_59 = arith.constant 0 : i32
    %scan3A_60 = arith.constant 25 : i32
    %scan3A_61 = arith.addi %scan3A_59, %scan3A_60 : i32
    %scan3A_62 = arith.constant 1 : i32
    scf.for %scan3A_84 = %scan3A_59 to %scan3A_61 step %scan3A_62  : i32 {
      %mul3A_85 = arith.constant 5 : i32
      %mul3A_86 = arith.muli %scan3A_84, %mul3A_85 : i32
      %add3A_87 = arith.constant 0 : i32
      %add3A_88 = arith.addi %mul3A_86, %add3A_87 : i32
      %mul3A_89 = arith.constant 80 : i32
      %mul3A_90 = arith.muli %add3A_88, %mul3A_89 : i32
      %dma_wait3A_91 = tpu.memref_slice %arg6[%mul3A_90] : memref<10000xi32, #tpu.memory_space<vmem>> -> memref<80xi32, #tpu.memory_space<vmem>>
      %dma_wait3A_92 = arith.constant 0 : i32
      %dma_wait3A_93 = arith.constant 0 : i32
      %dma_wait3A_94 = tpu.memref_slice %arg2[%dma_wait3A_92, %dma_wait3A_93] : memref<10000x128xf32, #tpu.memory_space<hbm>> -> memref<10000x128xf32, #tpu.memory_space<hbm>>
      tpu.wait_indirect_dma semaphore(%arg23 : memref<!tpu.dma_semaphore, #tpu.memory_space<semaphore_mem>>) src(%dma_wait3A_94 : memref<10000x128xf32, #tpu.memory_space<hbm>>) dst(%arg8 : memref<80x128xf32, #tpu.memory_space<vmem>>)
      %mul3A_95 = arith.constant 80 : i32
      %mul3A_96 = arith.muli %add3A_88, %mul3A_95 : i32
      %dma_wait3A_97 = tpu.memref_slice %arg7[%mul3A_96] : memref<10000xi32, #tpu.memory_space<vmem>> -> memref<80xi32, #tpu.memory_space<vmem>>
      %dma_wait3A_98 = arith.constant 0 : i32
      %dma_wait3A_99 = arith.constant 0 : i32
      %dma_wait3A_100 = tpu.memref_slice %arg2[%dma_wait3A_98, %dma_wait3A_99] : memref<10000x128xf32, #tpu.memory_space<hbm>> -> memref<10000x128xf32, #tpu.memory_space<hbm>>
      tpu.wait_indirect_dma semaphore(%arg23 : memref<!tpu.dma_semaphore, #tpu.memory_space<semaphore_mem>>) src(%dma_wait3A_100 : memref<10000x128xf32, #tpu.memory_space<hbm>>) dst(%arg13 : memref<80x128xf32, #tpu.memory_space<vmem>>)
      %ge3A = arith.constant 5 : i32
      %ge3A_101 = arith.cmpi sge, %add3A_88, %ge3A : i32
      %convert_element_type3A = arith.extui %ge3A_101 : i1 to i32
      %cond3A = arith.constant 0 : i32
      %cond3A_102 = arith.cmpi ne, %convert_element_type3A, %cond3A : i32
      scf.if %cond3A_102 {
        %sub3A = arith.constant 5 : i32
        %sub3A_668 = arith.subi %add3A_88, %sub3A : i32
        %mul3A_669 = arith.constant 80 : i32
        %mul3A_670 = arith.muli %sub3A_668, %mul3A_669 : i32
        %add3A_671 = arith.addi %mul3A_2, %mul3A_670 : i32
        %dma_wait3A_672 = tpu.memref_slice %arg5[%add3A_671] : memref<320000xf32, #tpu.memory_space<hbm>> -> memref<80xf32, #tpu.memory_space<hbm>>
        %dma_wait3A_673 = tpu.memref_slice %arg5[%add3A_671] : memref<320000xf32, #tpu.memory_space<hbm>> -> memref<80xf32, #tpu.memory_space<hbm>>
        tpu.wait_dma2 semaphore(%arg28 : memref<!tpu.dma_semaphore, #tpu.memory_space<semaphore_mem>>) src(%arg18 : memref<80xf32, #tpu.memory_space<vmem>>) dst(%dma_wait3A_673 : memref<80xf32, #tpu.memory_space<hbm>>)
      } else {
      }
      %iota3A = tpu.iota {dimensions = array<i32: 0>} : vector<16xi32>
      %broadcast_in_dim3A = arith.constant 0.000000e+00 : f32
      %broadcast_in_dim3A_103 = vector.broadcast %broadcast_in_dim3A : f32 to vector<16xf32>
      %swap3A = arith.constant 0 : index
      %swap3A_104 = tpu.vector_load %arg18[%swap3A] {strides = array<i32>} : memref<80xf32, #tpu.memory_space<vmem>>, vector<16xf32>,
      tpu.vector_store %arg18[%swap3A], %broadcast_in_dim3A_103 {strides = array<i32>} : memref<80xf32, #tpu.memory_space<vmem>>, vector<16xf32>,
      %swap3A_105 = arith.constant 16 : index
      %swap3A_106 = tpu.vector_load %arg18[%swap3A_105] {strides = array<i32>} : memref<80xf32, #tpu.memory_space<vmem>>, vector<16xf32>,
      tpu.vector_store %arg18[%swap3A_105], %broadcast_in_dim3A_103 {strides = array<i32>} : memref<80xf32, #tpu.memory_space<vmem>>, vector<16xf32>,
      %swap3A_107 = arith.constant 32 : index
      %swap3A_108 = tpu.vector_load %arg18[%swap3A_107] {strides = array<i32>} : memref<80xf32, #tpu.memory_space<vmem>>, vector<16xf32>,
      tpu.vector_store %arg18[%swap3A_107], %broadcast_in_dim3A_103 {strides = array<i32>} : memref<80xf32, #tpu.memory_space<vmem>>, vector<16xf32>,
      %swap3A_109 = arith.constant 48 : index
      %swap3A_110 = tpu.vector_load %arg18[%swap3A_109] {strides = array<i32>} : memref<80xf32, #tpu.memory_space<vmem>>, vector<16xf32>,
      tpu.vector_store %arg18[%swap3A_109], %broadcast_in_dim3A_103 {strides = array<i32>} : memref<80xf32, #tpu.memory_space<vmem>>, vector<16xf32>,
      %swap3A_111 = arith.constant 64 : index
      %swap3A_112 = tpu.vector_load %arg18[%swap3A_111] {strides = array<i32>} : memref<80xf32, #tpu.memory_space<vmem>>, vector<16xf32>,
      tpu.vector_store %arg18[%swap3A_111], %broadcast_in_dim3A_103 {strides = array<i32>} : memref<80xf32, #tpu.memory_space<vmem>>, vector<16xf32>,
      %parallel_loop3A = arith.constant 0 : i32
      %parallel_loop3A_113 = arith.constant 80 : i32
      %parallel_loop3A_114 = arith.constant 1 : i32
      scf.for %parallel_loop3A_668 = %parallel_loop3A to %parallel_loop3A_113 step %parallel_loop3A_114  : i32 {
        %parallel_loop3A_669 = arith.constant -16 : i32
        %parallel_loop3A_670 = arith.andi %parallel_loop3A_668, %parallel_loop3A_669 : i32
        %parallel_loop3A_671 = arith.constant 15 : i32
        %parallel_loop3A_672 = arith.andi %parallel_loop3A_668, %parallel_loop3A_671 : i32
        %parallel_loop3A_673 = vector.broadcast %parallel_loop3A_670 : i32 to vector<16xi32>
        %parallel_loop3A_674 = arith.addi %iota3A, %parallel_loop3A_673 : vector<16xi32>
        %parallel_loop3A_675 = vector.broadcast %parallel_loop3A_672 : i32 to vector<16xi32>
        %parallel_loop3A_676 = arith.addi %iota3A, %parallel_loop3A_675 : vector<16xi32>
        %parallel_loop3A_677 = arith.constant 15 : i32
        %parallel_loop3A_678 = vector.broadcast %parallel_loop3A_677 : i32 to vector<16xi32>
        %parallel_loop3A_679 = arith.andi %parallel_loop3A_676, %parallel_loop3A_678 : vector<16xi32>
        %parallel_loop3A_680 = arith.constant 0 : i32
        %parallel_loop3A_681 = vector.broadcast %parallel_loop3A_680 : i32 to vector<16xi32>
        %parallel_loop3A_682 = arith.addi %parallel_loop3A_679, %parallel_loop3A_681 : vector<16xi32>
        %parallel_loop3A_683 = arith.constant 16 : i32
        %parallel_loop3A_684 = vector.broadcast %parallel_loop3A_683 : i32 to vector<16xi32>
        %parallel_loop3A_685 = arith.addi %parallel_loop3A_679, %parallel_loop3A_684 : vector<16xi32>
        %parallel_loop3A_686 = tpu.vector_load_idx %arg8[%parallel_loop3A_674, %parallel_loop3A_682] : memref<80x128xf32, #tpu.memory_space<vmem>>[vector<16xi32>, vector<16xi32>], vector<16xf32>,
        %parallel_loop3A_687 = tpu.vector_load_idx %arg13[%parallel_loop3A_674, %parallel_loop3A_682] : memref<80x128xf32, #tpu.memory_space<vmem>>[vector<16xi32>, vector<16xi32>], vector<16xf32>,
        %parallel_loop3A_688 = tpu.vector_load_idx %arg8[%parallel_loop3A_674, %parallel_loop3A_685] : memref<80x128xf32, #tpu.memory_space<vmem>>[vector<16xi32>, vector<16xi32>], vector<16xf32>,
        %parallel_loop3A_689 = tpu.vector_load_idx %arg13[%parallel_loop3A_674, %parallel_loop3A_685] : memref<80x128xf32, #tpu.memory_space<vmem>>[vector<16xi32>, vector<16xi32>], vector<16xf32>,
        %parallel_loop3A_690 = arith.mulf %parallel_loop3A_686, %parallel_loop3A_687 : vector<16xf32>
        %parallel_loop3A_691 = arith.mulf %parallel_loop3A_688, %parallel_loop3A_689 : vector<16xf32>
        %parallel_loop3A_692 = arith.addf %parallel_loop3A_690, %parallel_loop3A_691 : vector<16xf32>
        %parallel_loop3A_693 = arith.constant 32 : i32
        %parallel_loop3A_694 = vector.broadcast %parallel_loop3A_693 : i32 to vector<16xi32>
        %parallel_loop3A_695 = arith.addi %parallel_loop3A_679, %parallel_loop3A_694 : vector<16xi32>
        %parallel_loop3A_696 = arith.constant 48 : i32
        %parallel_loop3A_697 = vector.broadcast %parallel_loop3A_696 : i32 to vector<16xi32>
        %parallel_loop3A_698 = arith.addi %parallel_loop3A_679, %parallel_loop3A_697 : vector<16xi32>
        %parallel_loop3A_699 = tpu.vector_load_idx %arg8[%parallel_loop3A_674, %parallel_loop3A_695] : memref<80x128xf32, #tpu.memory_space<vmem>>[vector<16xi32>, vector<16xi32>], vector<16xf32>,
        %parallel_loop3A_700 = tpu.vector_load_idx %arg13[%parallel_loop3A_674, %parallel_loop3A_695] : memref<80x128xf32, #tpu.memory_space<vmem>>[vector<16xi32>, vector<16xi32>], vector<16xf32>,
        %parallel_loop3A_701 = tpu.vector_load_idx %arg8[%parallel_loop3A_674, %parallel_loop3A_698] : memref<80x128xf32, #tpu.memory_space<vmem>>[vector<16xi32>, vector<16xi32>], vector<16xf32>,
        %parallel_loop3A_702 = tpu.vector_load_idx %arg13[%parallel_loop3A_674, %parallel_loop3A_698] : memref<80x128xf32, #tpu.memory_space<vmem>>[vector<16xi32>, vector<16xi32>], vector<16xf32>,
        %parallel_loop3A_703 = arith.mulf %parallel_loop3A_699, %parallel_loop3A_700 : vector<16xf32>
        %parallel_loop3A_704 = arith.mulf %parallel_loop3A_701, %parallel_loop3A_702 : vector<16xf32>
        %parallel_loop3A_705 = arith.addf %parallel_loop3A_703, %parallel_loop3A_704 : vector<16xf32>
        %parallel_loop3A_706 = arith.constant 64 : i32
        %parallel_loop3A_707 = vector.broadcast %parallel_loop3A_706 : i32 to vector<16xi32>
        %parallel_loop3A_708 = arith.addi %parallel_loop3A_679, %parallel_loop3A_707 : vector<16xi32>
        %parallel_loop3A_709 = arith.constant 80 : i32
        %parallel_loop3A_710 = vector.broadcast %parallel_loop3A_709 : i32 to vector<16xi32>
        %parallel_loop3A_711 = arith.addi %parallel_loop3A_679, %parallel_loop3A_710 : vector<16xi32>
        %parallel_loop3A_712 = tpu.vector_load_idx %arg8[%parallel_loop3A_674, %parallel_loop3A_708] : memref<80x128xf32, #tpu.memory_space<vmem>>[vector<16xi32>, vector<16xi32>], vector<16xf32>,
        %parallel_loop3A_713 = tpu.vector_load_idx %arg13[%parallel_loop3A_674, %parallel_loop3A_708] : memref<80x128xf32, #tpu.memory_space<vmem>>[vector<16xi32>, vector<16xi32>], vector<16xf32>,
        %parallel_loop3A_714 = tpu.vector_load_idx %arg8[%parallel_loop3A_674, %parallel_loop3A_711] : memref<80x128xf32, #tpu.memory_space<vmem>>[vector<16xi32>, vector<16xi32>], vector<16xf32>,
        %parallel_loop3A_715 = tpu.vector_load_idx %arg13[%parallel_loop3A_674, %parallel_loop3A_711] : memref<80x128xf32, #tpu.memory_space<vmem>>[vector<16xi32>, vector<16xi32>], vector<16xf32>,
        %parallel_loop3A_716 = arith.mulf %parallel_loop3A_712, %parallel_loop3A_713 : vector<16xf32>
        %parallel_loop3A_717 = arith.mulf %parallel_loop3A_714, %parallel_loop3A_715 : vector<16xf32>
        %parallel_loop3A_718 = arith.addf %parallel_loop3A_716, %parallel_loop3A_717 : vector<16xf32>
        %parallel_loop3A_719 = arith.constant 96 : i32
        %parallel_loop3A_720 = vector.broadcast %parallel_loop3A_719 : i32 to vector<16xi32>
        %parallel_loop3A_721 = arith.addi %parallel_loop3A_679, %parallel_loop3A_720 : vector<16xi32>
        %parallel_loop3A_722 = arith.constant 112 : i32
        %parallel_loop3A_723 = vector.broadcast %parallel_loop3A_722 : i32 to vector<16xi32>
        %parallel_loop3A_724 = arith.addi %parallel_loop3A_679, %parallel_loop3A_723 : vector<16xi32>
        %parallel_loop3A_725 = tpu.vector_load_idx %arg8[%parallel_loop3A_674, %parallel_loop3A_721] : memref<80x128xf32, #tpu.memory_space<vmem>>[vector<16xi32>, vector<16xi32>], vector<16xf32>,
        %parallel_loop3A_726 = tpu.vector_load_idx %arg13[%parallel_loop3A_674, %parallel_loop3A_721] : memref<80x128xf32, #tpu.memory_space<vmem>>[vector<16xi32>, vector<16xi32>], vector<16xf32>,
        %parallel_loop3A_727 = tpu.vector_load_idx %arg8[%parallel_loop3A_674, %parallel_loop3A_724] : memref<80x128xf32, #tpu.memory_space<vmem>>[vector<16xi32>, vector<16xi32>], vector<16xf32>,
        %parallel_loop3A_728 = tpu.vector_load_idx %arg13[%parallel_loop3A_674, %parallel_loop3A_724] : memref<80x128xf32, #tpu.memory_space<vmem>>[vector<16xi32>, vector<16xi32>], vector<16xf32>,
        %parallel_loop3A_729 = arith.mulf %parallel_loop3A_725, %parallel_loop3A_726 : vector<16xf32>
        %parallel_loop3A_730 = arith.mulf %parallel_loop3A_727, %parallel_loop3A_728 : vector<16xf32>
        %parallel_loop3A_731 = arith.addf %parallel_loop3A_729, %parallel_loop3A_730 : vector<16xf32>
        %parallel_loop3A_732 = arith.addf %parallel_loop3A_692, %parallel_loop3A_705 : vector<16xf32>
        %parallel_loop3A_733 = arith.addf %parallel_loop3A_718, %parallel_loop3A_731 : vector<16xf32>
        %parallel_loop3A_734 = arith.addf %parallel_loop3A_732, %parallel_loop3A_733 : vector<16xf32>
        tpu.vector_store_idx %arg18[%parallel_loop3A_674], %parallel_loop3A_734 {add = true} : memref<80xf32, #tpu.memory_space<vmem>>[vector<16xi32>], vector<16xf32>,
      } {sc.loop_unroll_factor = 1 : i64, sc.parallel_access}
      %get3A = arith.constant 0 : index
      %get3A_115 = tpu.vector_load %arg18[%get3A] {strides = array<i32>} : memref<80xf32, #tpu.memory_space<vmem>>, vector<16xf32>,
      %neg3A = arith.constant 0.000000e+00 : f32
      %neg3A_116 = vector.broadcast %neg3A : f32 to vector<16xf32>
      %neg3A_117 = arith.subf %neg3A_116, %get3A_115 : vector<16xf32>
      %exp3A = math.exp %neg3A_117 : vector<16xf32>
      %add3A_118 = arith.constant 1.000000e+00 : f32
      %add3A_119 = vector.broadcast %add3A_118 : f32 to vector<16xf32>
      %add3A_120 = arith.addf %add3A_119, %exp3A : vector<16xf32>
      %div3A = arith.constant 1.000000e+00 : f32
      %div3A_121 = vector.broadcast %div3A : f32 to vector<16xf32>
      %div3A_122 = arith.divf %div3A_121, %add3A_120 : vector<16xf32>
      %swap3A_123 = arith.constant 0 : index
      %swap3A_124 = tpu.vector_load %arg18[%swap3A_123] {strides = array<i32>} : memref<80xf32, #tpu.memory_space<vmem>>, vector<16xf32>,
      tpu.vector_store %arg18[%swap3A_123], %div3A_122 {strides = array<i32>} : memref<80xf32, #tpu.memory_space<vmem>>, vector<16xf32>,
      %get3A_125 = arith.constant 16 : index
      %get3A_126 = tpu.vector_load %arg18[%get3A_125] {strides = array<i32>} : memref<80xf32, #tpu.memory_space<vmem>>, vector<16xf32>,
      %neg3A_127 = arith.constant 0.000000e+00 : f32
      %neg3A_128 = vector.broadcast %neg3A_127 : f32 to vector<16xf32>
      %neg3A_129 = arith.subf %neg3A_128, %get3A_126 : vector<16xf32>
      %exp3A_130 = math.exp %neg3A_129 : vector<16xf32>
      %add3A_131 = arith.constant 1.000000e+00 : f32
      %add3A_132 = vector.broadcast %add3A_131 : f32 to vector<16xf32>
      %add3A_133 = arith.addf %add3A_132, %exp3A_130 : vector<16xf32>
      %div3A_134 = arith.constant 1.000000e+00 : f32
      %div3A_135 = vector.broadcast %div3A_134 : f32 to vector<16xf32>
      %div3A_136 = arith.divf %div3A_135, %add3A_133 : vector<16xf32>
      %swap3A_137 = arith.constant 16 : index
      %swap3A_138 = tpu.vector_load %arg18[%swap3A_137] {strides = array<i32>} : memref<80xf32, #tpu.memory_space<vmem>>, vector<16xf32>,
      tpu.vector_store %arg18[%swap3A_137], %div3A_136 {strides = array<i32>} : memref<80xf32, #tpu.memory_space<vmem>>, vector<16xf32>,
      %get3A_139 = arith.constant 32 : index
      %get3A_140 = tpu.vector_load %arg18[%get3A_139] {strides = array<i32>} : memref<80xf32, #tpu.memory_space<vmem>>, vector<16xf32>,
      %neg3A_141 = arith.constant 0.000000e+00 : f32
      %neg3A_142 = vector.broadcast %neg3A_141 : f32 to vector<16xf32>
      %neg3A_143 = arith.subf %neg3A_142, %get3A_140 : vector<16xf32>
      %exp3A_144 = math.exp %neg3A_143 : vector<16xf32>
      %add3A_145 = arith.constant 1.000000e+00 : f32
      %add3A_146 = vector.broadcast %add3A_145 : f32 to vector<16xf32>
      %add3A_147 = arith.addf %add3A_146, %exp3A_144 : vector<16xf32>
      %div3A_148 = arith.constant 1.000000e+00 : f32
      %div3A_149 = vector.broadcast %div3A_148 : f32 to vector<16xf32>
      %div3A_150 = arith.divf %div3A_149, %add3A_147 : vector<16xf32>
      %swap3A_151 = arith.constant 32 : index
      %swap3A_152 = tpu.vector_load %arg18[%swap3A_151] {strides = array<i32>} : memref<80xf32, #tpu.memory_space<vmem>>, vector<16xf32>,
      tpu.vector_store %arg18[%swap3A_151], %div3A_150 {strides = array<i32>} : memref<80xf32, #tpu.memory_space<vmem>>, vector<16xf32>,
      %get3A_153 = arith.constant 48 : index
      %get3A_154 = tpu.vector_load %arg18[%get3A_153] {strides = array<i32>} : memref<80xf32, #tpu.memory_space<vmem>>, vector<16xf32>,
      %neg3A_155 = arith.constant 0.000000e+00 : f32
      %neg3A_156 = vector.broadcast %neg3A_155 : f32 to vector<16xf32>
      %neg3A_157 = arith.subf %neg3A_156, %get3A_154 : vector<16xf32>
      %exp3A_158 = math.exp %neg3A_157 : vector<16xf32>
      %add3A_159 = arith.constant 1.000000e+00 : f32
      %add3A_160 = vector.broadcast %add3A_159 : f32 to vector<16xf32>
      %add3A_161 = arith.addf %add3A_160, %exp3A_158 : vector<16xf32>
      %div3A_162 = arith.constant 1.000000e+00 : f32
      %div3A_163 = vector.broadcast %div3A_162 : f32 to vector<16xf32>
      %div3A_164 = arith.divf %div3A_163, %add3A_161 : vector<16xf32>
      %swap3A_165 = arith.constant 48 : index
      %swap3A_166 = tpu.vector_load %arg18[%swap3A_165] {strides = array<i32>} : memref<80xf32, #tpu.memory_space<vmem>>, vector<16xf32>,
      tpu.vector_store %arg18[%swap3A_165], %div3A_164 {strides = array<i32>} : memref<80xf32, #tpu.memory_space<vmem>>, vector<16xf32>,
      %get3A_167 = arith.constant 64 : index
      %get3A_168 = tpu.vector_load %arg18[%get3A_167] {strides = array<i32>} : memref<80xf32, #tpu.memory_space<vmem>>, vector<16xf32>,
      %neg3A_169 = arith.constant 0.000000e+00 : f32
      %neg3A_170 = vector.broadcast %neg3A_169 : f32 to vector<16xf32>
      %neg3A_171 = arith.subf %neg3A_170, %get3A_168 : vector<16xf32>
      %exp3A_172 = math.exp %neg3A_171 : vector<16xf32>
      %add3A_173 = arith.constant 1.000000e+00 : f32
      %add3A_174 = vector.broadcast %add3A_173 : f32 to vector<16xf32>
      %add3A_175 = arith.addf %add3A_174, %exp3A_172 : vector<16xf32>
      %div3A_176 = arith.constant 1.000000e+00 : f32
      %div3A_177 = vector.broadcast %div3A_176 : f32 to vector<16xf32>
      %div3A_178 = arith.divf %div3A_177, %add3A_175 : vector<16xf32>
      %swap3A_179 = arith.constant 64 : index
      %swap3A_180 = tpu.vector_load %arg18[%swap3A_179] {strides = array<i32>} : memref<80xf32, #tpu.memory_space<vmem>>, vector<16xf32>,
      tpu.vector_store %arg18[%swap3A_179], %div3A_178 {strides = array<i32>} : memref<80xf32, #tpu.memory_space<vmem>>, vector<16xf32>,
      %mul3A_181 = arith.constant 80 : i32
      %mul3A_182 = arith.muli %add3A_88, %mul3A_181 : i32
      %add3A_183 = arith.addi %mul3A_2, %mul3A_182 : i32
      %dma_start3A_184 = tpu.memref_slice %arg5[%add3A_183] : memref<320000xf32, #tpu.memory_space<hbm>> -> memref<80xf32, #tpu.memory_space<hbm>>
      %dma_start3A_185 = tpu.memref_slice %arg5[%add3A_183] : memref<320000xf32, #tpu.memory_space<hbm>> -> memref<80xf32, #tpu.memory_space<hbm>>
      tpu.enqueue_dma source(%arg18 : memref<80xf32, #tpu.memory_space<vmem>>) target(%dma_start3A_185 : memref<80xf32, #tpu.memory_space<hbm>>) target_semaphore(%arg28 : memref<!tpu.dma_semaphore, #tpu.memory_space<semaphore_mem>>)
      %add3A_186 = arith.constant 5 : i32
      %add3A_187 = arith.addi %add3A_88, %add3A_186 : i32
      %lt3A = arith.constant 125 : i32
      %lt3A_188 = arith.cmpi slt, %add3A_187, %lt3A : i32
      %convert_element_type3A_189 = arith.extui %lt3A_188 : i1 to i32
      %cond3A_190 = arith.constant 0 : i32
      %cond3A_191 = arith.cmpi ne, %convert_element_type3A_189, %cond3A_190 : i32
      scf.if %cond3A_191 {
        %add3A_668 = arith.constant 5 : i32
        %add3A_669 = arith.addi %add3A_88, %add3A_668 : i32
        %mul3A_670 = arith.constant 80 : i32
        %mul3A_671 = arith.muli %add3A_669, %mul3A_670 : i32
        %dma_start3A_672 = tpu.memref_slice %arg6[%mul3A_671] : memref<10000xi32, #tpu.memory_space<vmem>> -> memref<80xi32, #tpu.memory_space<vmem>>
        %dma_start3A_673 = arith.constant 0 : i32
        %dma_start3A_674 = arith.constant 0 : i32
        %dma_start3A_675 = tpu.memref_slice %arg2[%dma_start3A_673, %dma_start3A_674] : memref<10000x128xf32, #tpu.memory_space<hbm>> -> memref<10000x128xf32, #tpu.memory_space<hbm>>
        tpu.enqueue_indirect_dma source(%dma_start3A_675 : memref<10000x128xf32, #tpu.memory_space<hbm>>) target(%arg8 : memref<80x128xf32, #tpu.memory_space<vmem>>) offsets(%dma_start3A_672 : memref<80xi32, #tpu.memory_space<vmem>>) semaphore(%arg23 : memref<!tpu.dma_semaphore, #tpu.memory_space<semaphore_mem>>)
        %mul3A_676 = arith.constant 80 : i32
        %mul3A_677 = arith.muli %add3A_669, %mul3A_676 : i32
        %dma_start3A_678 = tpu.memref_slice %arg7[%mul3A_677] : memref<10000xi32, #tpu.memory_space<vmem>> -> memref<80xi32, #tpu.memory_space<vmem>>
        %dma_start3A_679 = arith.constant 0 : i32
        %dma_start3A_680 = arith.constant 0 : i32
        %dma_start3A_681 = tpu.memref_slice %arg2[%dma_start3A_679, %dma_start3A_680] : memref<10000x128xf32, #tpu.memory_space<hbm>> -> memref<10000x128xf32, #tpu.memory_space<hbm>>
        tpu.enqueue_indirect_dma source(%dma_start3A_681 : memref<10000x128xf32, #tpu.memory_space<hbm>>) target(%arg13 : memref<80x128xf32, #tpu.memory_space<vmem>>) offsets(%dma_start3A_678 : memref<80xi32, #tpu.memory_space<vmem>>) semaphore(%arg23 : memref<!tpu.dma_semaphore, #tpu.memory_space<semaphore_mem>>)
      } else {
      }
      %mul3A_192 = arith.constant 5 : i32
      %mul3A_193 = arith.muli %scan3A_84, %mul3A_192 : i32
      %add3A_194 = arith.constant 1 : i32
      %add3A_195 = arith.addi %mul3A_193, %add3A_194 : i32
      %mul3A_196 = arith.constant 80 : i32
      %mul3A_197 = arith.muli %add3A_195, %mul3A_196 : i32
      %dma_wait3A_198 = tpu.memref_slice %arg6[%mul3A_197] : memref<10000xi32, #tpu.memory_space<vmem>> -> memref<80xi32, #tpu.memory_space<vmem>>
      %dma_wait3A_199 = arith.constant 0 : i32
      %dma_wait3A_200 = arith.constant 0 : i32
      %dma_wait3A_201 = tpu.memref_slice %arg2[%dma_wait3A_199, %dma_wait3A_200] : memref<10000x128xf32, #tpu.memory_space<hbm>> -> memref<10000x128xf32, #tpu.memory_space<hbm>>
      tpu.wait_indirect_dma semaphore(%arg24 : memref<!tpu.dma_semaphore, #tpu.memory_space<semaphore_mem>>) src(%dma_wait3A_201 : memref<10000x128xf32, #tpu.memory_space<hbm>>) dst(%arg9 : memref<80x128xf32, #tpu.memory_space<vmem>>)
      %mul3A_202 = arith.constant 80 : i32
      %mul3A_203 = arith.muli %add3A_195, %mul3A_202 : i32
      %dma_wait3A_204 = tpu.memref_slice %arg7[%mul3A_203] : memref<10000xi32, #tpu.memory_space<vmem>> -> memref<80xi32, #tpu.memory_space<vmem>>
      %dma_wait3A_205 = arith.constant 0 : i32
      %dma_wait3A_206 = arith.constant 0 : i32
      %dma_wait3A_207 = tpu.memref_slice %arg2[%dma_wait3A_205, %dma_wait3A_206] : memref<10000x128xf32, #tpu.memory_space<hbm>> -> memref<10000x128xf32, #tpu.memory_space<hbm>>
      tpu.wait_indirect_dma semaphore(%arg24 : memref<!tpu.dma_semaphore, #tpu.memory_space<semaphore_mem>>) src(%dma_wait3A_207 : memref<10000x128xf32, #tpu.memory_space<hbm>>) dst(%arg14 : memref<80x128xf32, #tpu.memory_space<vmem>>)
      %ge3A_208 = arith.constant 5 : i32
      %ge3A_209 = arith.cmpi sge, %add3A_195, %ge3A_208 : i32
      %convert_element_type3A_210 = arith.extui %ge3A_209 : i1 to i32
      %cond3A_211 = arith.constant 0 : i32
      %cond3A_212 = arith.cmpi ne, %convert_element_type3A_210, %cond3A_211 : i32
      scf.if %cond3A_212 {
        %sub3A = arith.constant 5 : i32
        %sub3A_668 = arith.subi %add3A_195, %sub3A : i32
        %mul3A_669 = arith.constant 80 : i32
        %mul3A_670 = arith.muli %sub3A_668, %mul3A_669 : i32
        %add3A_671 = arith.addi %mul3A_2, %mul3A_670 : i32
        %dma_wait3A_672 = tpu.memref_slice %arg5[%add3A_671] : memref<320000xf32, #tpu.memory_space<hbm>> -> memref<80xf32, #tpu.memory_space<hbm>>
        %dma_wait3A_673 = tpu.memref_slice %arg5[%add3A_671] : memref<320000xf32, #tpu.memory_space<hbm>> -> memref<80xf32, #tpu.memory_space<hbm>>
        tpu.wait_dma2 semaphore(%arg29 : memref<!tpu.dma_semaphore, #tpu.memory_space<semaphore_mem>>) src(%arg19 : memref<80xf32, #tpu.memory_space<vmem>>) dst(%dma_wait3A_673 : memref<80xf32, #tpu.memory_space<hbm>>)
      } else {
      }
      %iota3A_213 = tpu.iota {dimensions = array<i32: 0>} : vector<16xi32>
      %broadcast_in_dim3A_214 = arith.constant 0.000000e+00 : f32
      %broadcast_in_dim3A_215 = vector.broadcast %broadcast_in_dim3A_214 : f32 to vector<16xf32>
      %swap3A_216 = arith.constant 0 : index
      %swap3A_217 = tpu.vector_load %arg19[%swap3A_216] {strides = array<i32>} : memref<80xf32, #tpu.memory_space<vmem>>, vector<16xf32>,
      tpu.vector_store %arg19[%swap3A_216], %broadcast_in_dim3A_215 {strides = array<i32>} : memref<80xf32, #tpu.memory_space<vmem>>, vector<16xf32>,
      %swap3A_218 = arith.constant 16 : index
      %swap3A_219 = tpu.vector_load %arg19[%swap3A_218] {strides = array<i32>} : memref<80xf32, #tpu.memory_space<vmem>>, vector<16xf32>,
      tpu.vector_store %arg19[%swap3A_218], %broadcast_in_dim3A_215 {strides = array<i32>} : memref<80xf32, #tpu.memory_space<vmem>>, vector<16xf32>,
      %swap3A_220 = arith.constant 32 : index
      %swap3A_221 = tpu.vector_load %arg19[%swap3A_220] {strides = array<i32>} : memref<80xf32, #tpu.memory_space<vmem>>, vector<16xf32>,
      tpu.vector_store %arg19[%swap3A_220], %broadcast_in_dim3A_215 {strides = array<i32>} : memref<80xf32, #tpu.memory_space<vmem>>, vector<16xf32>,
      %swap3A_222 = arith.constant 48 : index
      %swap3A_223 = tpu.vector_load %arg19[%swap3A_222] {strides = array<i32>} : memref<80xf32, #tpu.memory_space<vmem>>, vector<16xf32>,
      tpu.vector_store %arg19[%swap3A_222], %broadcast_in_dim3A_215 {strides = array<i32>} : memref<80xf32, #tpu.memory_space<vmem>>, vector<16xf32>,
      %swap3A_224 = arith.constant 64 : index
      %swap3A_225 = tpu.vector_load %arg19[%swap3A_224] {strides = array<i32>} : memref<80xf32, #tpu.memory_space<vmem>>, vector<16xf32>,
      tpu.vector_store %arg19[%swap3A_224], %broadcast_in_dim3A_215 {strides = array<i32>} : memref<80xf32, #tpu.memory_space<vmem>>, vector<16xf32>,
      %parallel_loop3A_226 = arith.constant 0 : i32
      %parallel_loop3A_227 = arith.constant 80 : i32
      %parallel_loop3A_228 = arith.constant 1 : i32
      scf.for %parallel_loop3A_668 = %parallel_loop3A_226 to %parallel_loop3A_227 step %parallel_loop3A_228  : i32 {
        %parallel_loop3A_669 = arith.constant -16 : i32
        %parallel_loop3A_670 = arith.andi %parallel_loop3A_668, %parallel_loop3A_669 : i32
        %parallel_loop3A_671 = arith.constant 15 : i32
        %parallel_loop3A_672 = arith.andi %parallel_loop3A_668, %parallel_loop3A_671 : i32
        %parallel_loop3A_673 = vector.broadcast %parallel_loop3A_670 : i32 to vector<16xi32>
        %parallel_loop3A_674 = arith.addi %iota3A_213, %parallel_loop3A_673 : vector<16xi32>
        %parallel_loop3A_675 = vector.broadcast %parallel_loop3A_672 : i32 to vector<16xi32>
        %parallel_loop3A_676 = arith.addi %iota3A_213, %parallel_loop3A_675 : vector<16xi32>
        %parallel_loop3A_677 = arith.constant 15 : i32
        %parallel_loop3A_678 = vector.broadcast %parallel_loop3A_677 : i32 to vector<16xi32>
        %parallel_loop3A_679 = arith.andi %parallel_loop3A_676, %parallel_loop3A_678 : vector<16xi32>
        %parallel_loop3A_680 = arith.constant 0 : i32
        %parallel_loop3A_681 = vector.broadcast %parallel_loop3A_680 : i32 to vector<16xi32>
        %parallel_loop3A_682 = arith.addi %parallel_loop3A_679, %parallel_loop3A_681 : vector<16xi32>
        %parallel_loop3A_683 = arith.constant 16 : i32
        %parallel_loop3A_684 = vector.broadcast %parallel_loop3A_683 : i32 to vector<16xi32>
        %parallel_loop3A_685 = arith.addi %parallel_loop3A_679, %parallel_loop3A_684 : vector<16xi32>
        %parallel_loop3A_686 = tpu.vector_load_idx %arg9[%parallel_loop3A_674, %parallel_loop3A_682] : memref<80x128xf32, #tpu.memory_space<vmem>>[vector<16xi32>, vector<16xi32>], vector<16xf32>,
        %parallel_loop3A_687 = tpu.vector_load_idx %arg14[%parallel_loop3A_674, %parallel_loop3A_682] : memref<80x128xf32, #tpu.memory_space<vmem>>[vector<16xi32>, vector<16xi32>], vector<16xf32>,
        %parallel_loop3A_688 = tpu.vector_load_idx %arg9[%parallel_loop3A_674, %parallel_loop3A_685] : memref<80x128xf32, #tpu.memory_space<vmem>>[vector<16xi32>, vector<16xi32>], vector<16xf32>,
        %parallel_loop3A_689 = tpu.vector_load_idx %arg14[%parallel_loop3A_674, %parallel_loop3A_685] : memref<80x128xf32, #tpu.memory_space<vmem>>[vector<16xi32>, vector<16xi32>], vector<16xf32>,
        %parallel_loop3A_690 = arith.mulf %parallel_loop3A_686, %parallel_loop3A_687 : vector<16xf32>
        %parallel_loop3A_691 = arith.mulf %parallel_loop3A_688, %parallel_loop3A_689 : vector<16xf32>
        %parallel_loop3A_692 = arith.addf %parallel_loop3A_690, %parallel_loop3A_691 : vector<16xf32>
        %parallel_loop3A_693 = arith.constant 32 : i32
        %parallel_loop3A_694 = vector.broadcast %parallel_loop3A_693 : i32 to vector<16xi32>
        %parallel_loop3A_695 = arith.addi %parallel_loop3A_679, %parallel_loop3A_694 : vector<16xi32>
        %parallel_loop3A_696 = arith.constant 48 : i32
        %parallel_loop3A_697 = vector.broadcast %parallel_loop3A_696 : i32 to vector<16xi32>
        %parallel_loop3A_698 = arith.addi %parallel_loop3A_679, %parallel_loop3A_697 : vector<16xi32>
        %parallel_loop3A_699 = tpu.vector_load_idx %arg9[%parallel_loop3A_674, %parallel_loop3A_695] : memref<80x128xf32, #tpu.memory_space<vmem>>[vector<16xi32>, vector<16xi32>], vector<16xf32>,
        %parallel_loop3A_700 = tpu.vector_load_idx %arg14[%parallel_loop3A_674, %parallel_loop3A_695] : memref<80x128xf32, #tpu.memory_space<vmem>>[vector<16xi32>, vector<16xi32>], vector<16xf32>,
        %parallel_loop3A_701 = tpu.vector_load_idx %arg9[%parallel_loop3A_674, %parallel_loop3A_698] : memref<80x128xf32, #tpu.memory_space<vmem>>[vector<16xi32>, vector<16xi32>], vector<16xf32>,
        %parallel_loop3A_702 = tpu.vector_load_idx %arg14[%parallel_loop3A_674, %parallel_loop3A_698] : memref<80x128xf32, #tpu.memory_space<vmem>>[vector<16xi32>, vector<16xi32>], vector<16xf32>,
        %parallel_loop3A_703 = arith.mulf %parallel_loop3A_699, %parallel_loop3A_700 : vector<16xf32>
        %parallel_loop3A_704 = arith.mulf %parallel_loop3A_701, %parallel_loop3A_702 : vector<16xf32>
        %parallel_loop3A_705 = arith.addf %parallel_loop3A_703, %parallel_loop3A_704 : vector<16xf32>
        %parallel_loop3A_706 = arith.constant 64 : i32
        %parallel_loop3A_707 = vector.broadcast %parallel_loop3A_706 : i32 to vector<16xi32>
        %parallel_loop3A_708 = arith.addi %parallel_loop3A_679, %parallel_loop3A_707 : vector<16xi32>
        %parallel_loop3A_709 = arith.constant 80 : i32
        %parallel_loop3A_710 = vector.broadcast %parallel_loop3A_709 : i32 to vector<16xi32>
        %parallel_loop3A_711 = arith.addi %parallel_loop3A_679, %parallel_loop3A_710 : vector<16xi32>
        %parallel_loop3A_712 = tpu.vector_load_idx %arg9[%parallel_loop3A_674, %parallel_loop3A_708] : memref<80x128xf32, #tpu.memory_space<vmem>>[vector<16xi32>, vector<16xi32>], vector<16xf32>,
        %parallel_loop3A_713 = tpu.vector_load_idx %arg14[%parallel_loop3A_674, %parallel_loop3A_708] : memref<80x128xf32, #tpu.memory_space<vmem>>[vector<16xi32>, vector<16xi32>], vector<16xf32>,
        %parallel_loop3A_714 = tpu.vector_load_idx %arg9[%parallel_loop3A_674, %parallel_loop3A_711] : memref<80x128xf32, #tpu.memory_space<vmem>>[vector<16xi32>, vector<16xi32>], vector<16xf32>,
        %parallel_loop3A_715 = tpu.vector_load_idx %arg14[%parallel_loop3A_674, %parallel_loop3A_711] : memref<80x128xf32, #tpu.memory_space<vmem>>[vector<16xi32>, vector<16xi32>], vector<16xf32>,
        %parallel_loop3A_716 = arith.mulf %parallel_loop3A_712, %parallel_loop3A_713 : vector<16xf32>
        %parallel_loop3A_717 = arith.mulf %parallel_loop3A_714, %parallel_loop3A_715 : vector<16xf32>
        %parallel_loop3A_718 = arith.addf %parallel_loop3A_716, %parallel_loop3A_717 : vector<16xf32>
        %parallel_loop3A_719 = arith.constant 96 : i32
        %parallel_loop3A_720 = vector.broadcast %parallel_loop3A_719 : i32 to vector<16xi32>
        %parallel_loop3A_721 = arith.addi %parallel_loop3A_679, %parallel_loop3A_720 : vector<16xi32>
        %parallel_loop3A_722 = arith.constant 112 : i32
        %parallel_loop3A_723 = vector.broadcast %parallel_loop3A_722 : i32 to vector<16xi32>
        %parallel_loop3A_724 = arith.addi %parallel_loop3A_679, %parallel_loop3A_723 : vector<16xi32>
        %parallel_loop3A_725 = tpu.vector_load_idx %arg9[%parallel_loop3A_674, %parallel_loop3A_721] : memref<80x128xf32, #tpu.memory_space<vmem>>[vector<16xi32>, vector<16xi32>], vector<16xf32>,
        %parallel_loop3A_726 = tpu.vector_load_idx %arg14[%parallel_loop3A_674, %parallel_loop3A_721] : memref<80x128xf32, #tpu.memory_space<vmem>>[vector<16xi32>, vector<16xi32>], vector<16xf32>,
        %parallel_loop3A_727 = tpu.vector_load_idx %arg9[%parallel_loop3A_674, %parallel_loop3A_724] : memref<80x128xf32, #tpu.memory_space<vmem>>[vector<16xi32>, vector<16xi32>], vector<16xf32>,
        %parallel_loop3A_728 = tpu.vector_load_idx %arg14[%parallel_loop3A_674, %parallel_loop3A_724] : memref<80x128xf32, #tpu.memory_space<vmem>>[vector<16xi32>, vector<16xi32>], vector<16xf32>,
        %parallel_loop3A_729 = arith.mulf %parallel_loop3A_725, %parallel_loop3A_726 : vector<16xf32>
        %parallel_loop3A_730 = arith.mulf %parallel_loop3A_727, %parallel_loop3A_728 : vector<16xf32>
        %parallel_loop3A_731 = arith.addf %parallel_loop3A_729, %parallel_loop3A_730 : vector<16xf32>
        %parallel_loop3A_732 = arith.addf %parallel_loop3A_692, %parallel_loop3A_705 : vector<16xf32>
        %parallel_loop3A_733 = arith.addf %parallel_loop3A_718, %parallel_loop3A_731 : vector<16xf32>
        %parallel_loop3A_734 = arith.addf %parallel_loop3A_732, %parallel_loop3A_733 : vector<16xf32>
        tpu.vector_store_idx %arg19[%parallel_loop3A_674], %parallel_loop3A_734 {add = true} : memref<80xf32, #tpu.memory_space<vmem>>[vector<16xi32>], vector<16xf32>,
      } {sc.loop_unroll_factor = 1 : i64, sc.parallel_access}
      %get3A_229 = arith.constant 0 : index
      %get3A_230 = tpu.vector_load %arg19[%get3A_229] {strides = array<i32>} : memref<80xf32, #tpu.memory_space<vmem>>, vector<16xf32>,
      %neg3A_231 = arith.constant 0.000000e+00 : f32
      %neg3A_232 = vector.broadcast %neg3A_231 : f32 to vector<16xf32>
      %neg3A_233 = arith.subf %neg3A_232, %get3A_230 : vector<16xf32>
      %exp3A_234 = math.exp %neg3A_233 : vector<16xf32>
      %add3A_235 = arith.constant 1.000000e+00 : f32
      %add3A_236 = vector.broadcast %add3A_235 : f32 to vector<16xf32>
      %add3A_237 = arith.addf %add3A_236, %exp3A_234 : vector<16xf32>
      %div3A_238 = arith.constant 1.000000e+00 : f32
      %div3A_239 = vector.broadcast %div3A_238 : f32 to vector<16xf32>
      %div3A_240 = arith.divf %div3A_239, %add3A_237 : vector<16xf32>
      %swap3A_241 = arith.constant 0 : index
      %swap3A_242 = tpu.vector_load %arg19[%swap3A_241] {strides = array<i32>} : memref<80xf32, #tpu.memory_space<vmem>>, vector<16xf32>,
      tpu.vector_store %arg19[%swap3A_241], %div3A_240 {strides = array<i32>} : memref<80xf32, #tpu.memory_space<vmem>>, vector<16xf32>,
      %get3A_243 = arith.constant 16 : index
      %get3A_244 = tpu.vector_load %arg19[%get3A_243] {strides = array<i32>} : memref<80xf32, #tpu.memory_space<vmem>>, vector<16xf32>,
      %neg3A_245 = arith.constant 0.000000e+00 : f32
      %neg3A_246 = vector.broadcast %neg3A_245 : f32 to vector<16xf32>
      %neg3A_247 = arith.subf %neg3A_246, %get3A_244 : vector<16xf32>
      %exp3A_248 = math.exp %neg3A_247 : vector<16xf32>
      %add3A_249 = arith.constant 1.000000e+00 : f32
      %add3A_250 = vector.broadcast %add3A_249 : f32 to vector<16xf32>
      %add3A_251 = arith.addf %add3A_250, %exp3A_248 : vector<16xf32>
      %div3A_252 = arith.constant 1.000000e+00 : f32
      %div3A_253 = vector.broadcast %div3A_252 : f32 to vector<16xf32>
      %div3A_254 = arith.divf %div3A_253, %add3A_251 : vector<16xf32>
      %swap3A_255 = arith.constant 16 : index
      %swap3A_256 = tpu.vector_load %arg19[%swap3A_255] {strides = array<i32>} : memref<80xf32, #tpu.memory_space<vmem>>, vector<16xf32>,
      tpu.vector_store %arg19[%swap3A_255], %div3A_254 {strides = array<i32>} : memref<80xf32, #tpu.memory_space<vmem>>, vector<16xf32>,
      %get3A_257 = arith.constant 32 : index
      %get3A_258 = tpu.vector_load %arg19[%get3A_257] {strides = array<i32>} : memref<80xf32, #tpu.memory_space<vmem>>, vector<16xf32>,
      %neg3A_259 = arith.constant 0.000000e+00 : f32
      %neg3A_260 = vector.broadcast %neg3A_259 : f32 to vector<16xf32>
      %neg3A_261 = arith.subf %neg3A_260, %get3A_258 : vector<16xf32>
      %exp3A_262 = math.exp %neg3A_261 : vector<16xf32>
      %add3A_263 = arith.constant 1.000000e+00 : f32
      %add3A_264 = vector.broadcast %add3A_263 : f32 to vector<16xf32>
      %add3A_265 = arith.addf %add3A_264, %exp3A_262 : vector<16xf32>
      %div3A_266 = arith.constant 1.000000e+00 : f32
      %div3A_267 = vector.broadcast %div3A_266 : f32 to vector<16xf32>
      %div3A_268 = arith.divf %div3A_267, %add3A_265 : vector<16xf32>
      %swap3A_269 = arith.constant 32 : index
      %swap3A_270 = tpu.vector_load %arg19[%swap3A_269] {strides = array<i32>} : memref<80xf32, #tpu.memory_space<vmem>>, vector<16xf32>,
      tpu.vector_store %arg19[%swap3A_269], %div3A_268 {strides = array<i32>} : memref<80xf32, #tpu.memory_space<vmem>>, vector<16xf32>,
      %get3A_271 = arith.constant 48 : index
      %get3A_272 = tpu.vector_load %arg19[%get3A_271] {strides = array<i32>} : memref<80xf32, #tpu.memory_space<vmem>>, vector<16xf32>,
      %neg3A_273 = arith.constant 0.000000e+00 : f32
      %neg3A_274 = vector.broadcast %neg3A_273 : f32 to vector<16xf32>
      %neg3A_275 = arith.subf %neg3A_274, %get3A_272 : vector<16xf32>
      %exp3A_276 = math.exp %neg3A_275 : vector<16xf32>
      %add3A_277 = arith.constant 1.000000e+00 : f32
      %add3A_278 = vector.broadcast %add3A_277 : f32 to vector<16xf32>
      %add3A_279 = arith.addf %add3A_278, %exp3A_276 : vector<16xf32>
      %div3A_280 = arith.constant 1.000000e+00 : f32
      %div3A_281 = vector.broadcast %div3A_280 : f32 to vector<16xf32>
      %div3A_282 = arith.divf %div3A_281, %add3A_279 : vector<16xf32>
      %swap3A_283 = arith.constant 48 : index
      %swap3A_284 = tpu.vector_load %arg19[%swap3A_283] {strides = array<i32>} : memref<80xf32, #tpu.memory_space<vmem>>, vector<16xf32>,
      tpu.vector_store %arg19[%swap3A_283], %div3A_282 {strides = array<i32>} : memref<80xf32, #tpu.memory_space<vmem>>, vector<16xf32>,
      %get3A_285 = arith.constant 64 : index
      %get3A_286 = tpu.vector_load %arg19[%get3A_285] {strides = array<i32>} : memref<80xf32, #tpu.memory_space<vmem>>, vector<16xf32>,
      %neg3A_287 = arith.constant 0.000000e+00 : f32
      %neg3A_288 = vector.broadcast %neg3A_287 : f32 to vector<16xf32>
      %neg3A_289 = arith.subf %neg3A_288, %get3A_286 : vector<16xf32>
      %exp3A_290 = math.exp %neg3A_289 : vector<16xf32>
      %add3A_291 = arith.constant 1.000000e+00 : f32
      %add3A_292 = vector.broadcast %add3A_291 : f32 to vector<16xf32>
      %add3A_293 = arith.addf %add3A_292, %exp3A_290 : vector<16xf32>
      %div3A_294 = arith.constant 1.000000e+00 : f32
      %div3A_295 = vector.broadcast %div3A_294 : f32 to vector<16xf32>
      %div3A_296 = arith.divf %div3A_295, %add3A_293 : vector<16xf32>
      %swap3A_297 = arith.constant 64 : index
      %swap3A_298 = tpu.vector_load %arg19[%swap3A_297] {strides = array<i32>} : memref<80xf32, #tpu.memory_space<vmem>>, vector<16xf32>,
      tpu.vector_store %arg19[%swap3A_297], %div3A_296 {strides = array<i32>} : memref<80xf32, #tpu.memory_space<vmem>>, vector<16xf32>,
      %mul3A_299 = arith.constant 80 : i32
      %mul3A_300 = arith.muli %add3A_195, %mul3A_299 : i32
      %add3A_301 = arith.addi %mul3A_2, %mul3A_300 : i32
      %dma_start3A_302 = tpu.memref_slice %arg5[%add3A_301] : memref<320000xf32, #tpu.memory_space<hbm>> -> memref<80xf32, #tpu.memory_space<hbm>>
      %dma_start3A_303 = tpu.memref_slice %arg5[%add3A_301] : memref<320000xf32, #tpu.memory_space<hbm>> -> memref<80xf32, #tpu.memory_space<hbm>>
      tpu.enqueue_dma source(%arg19 : memref<80xf32, #tpu.memory_space<vmem>>) target(%dma_start3A_303 : memref<80xf32, #tpu.memory_space<hbm>>) target_semaphore(%arg29 : memref<!tpu.dma_semaphore, #tpu.memory_space<semaphore_mem>>)
      %add3A_304 = arith.constant 5 : i32
      %add3A_305 = arith.addi %add3A_195, %add3A_304 : i32
      %lt3A_306 = arith.constant 125 : i32
      %lt3A_307 = arith.cmpi slt, %add3A_305, %lt3A_306 : i32
      %convert_element_type3A_308 = arith.extui %lt3A_307 : i1 to i32
      %cond3A_309 = arith.constant 0 : i32
      %cond3A_310 = arith.cmpi ne, %convert_element_type3A_308, %cond3A_309 : i32
      scf.if %cond3A_310 {
        %add3A_668 = arith.constant 5 : i32
        %add3A_669 = arith.addi %add3A_195, %add3A_668 : i32
        %mul3A_670 = arith.constant 80 : i32
        %mul3A_671 = arith.muli %add3A_669, %mul3A_670 : i32
        %dma_start3A_672 = tpu.memref_slice %arg6[%mul3A_671] : memref<10000xi32, #tpu.memory_space<vmem>> -> memref<80xi32, #tpu.memory_space<vmem>>
        %dma_start3A_673 = arith.constant 0 : i32
        %dma_start3A_674 = arith.constant 0 : i32
        %dma_start3A_675 = tpu.memref_slice %arg2[%dma_start3A_673, %dma_start3A_674] : memref<10000x128xf32, #tpu.memory_space<hbm>> -> memref<10000x128xf32, #tpu.memory_space<hbm>>
        tpu.enqueue_indirect_dma source(%dma_start3A_675 : memref<10000x128xf32, #tpu.memory_space<hbm>>) target(%arg9 : memref<80x128xf32, #tpu.memory_space<vmem>>) offsets(%dma_start3A_672 : memref<80xi32, #tpu.memory_space<vmem>>) semaphore(%arg24 : memref<!tpu.dma_semaphore, #tpu.memory_space<semaphore_mem>>)
        %mul3A_676 = arith.constant 80 : i32
        %mul3A_677 = arith.muli %add3A_669, %mul3A_676 : i32
        %dma_start3A_678 = tpu.memref_slice %arg7[%mul3A_677] : memref<10000xi32, #tpu.memory_space<vmem>> -> memref<80xi32, #tpu.memory_space<vmem>>
        %dma_start3A_679 = arith.constant 0 : i32
        %dma_start3A_680 = arith.constant 0 : i32
        %dma_start3A_681 = tpu.memref_slice %arg2[%dma_start3A_679, %dma_start3A_680] : memref<10000x128xf32, #tpu.memory_space<hbm>> -> memref<10000x128xf32, #tpu.memory_space<hbm>>
        tpu.enqueue_indirect_dma source(%dma_start3A_681 : memref<10000x128xf32, #tpu.memory_space<hbm>>) target(%arg14 : memref<80x128xf32, #tpu.memory_space<vmem>>) offsets(%dma_start3A_678 : memref<80xi32, #tpu.memory_space<vmem>>) semaphore(%arg24 : memref<!tpu.dma_semaphore, #tpu.memory_space<semaphore_mem>>)
      } else {
      }
      %mul3A_311 = arith.constant 5 : i32
      %mul3A_312 = arith.muli %scan3A_84, %mul3A_311 : i32
      %add3A_313 = arith.constant 2 : i32
      %add3A_314 = arith.addi %mul3A_312, %add3A_313 : i32
      %mul3A_315 = arith.constant 80 : i32
      %mul3A_316 = arith.muli %add3A_314, %mul3A_315 : i32
      %dma_wait3A_317 = tpu.memref_slice %arg6[%mul3A_316] : memref<10000xi32, #tpu.memory_space<vmem>> -> memref<80xi32, #tpu.memory_space<vmem>>
      %dma_wait3A_318 = arith.constant 0 : i32
      %dma_wait3A_319 = arith.constant 0 : i32
      %dma_wait3A_320 = tpu.memref_slice %arg2[%dma_wait3A_318, %dma_wait3A_319] : memref<10000x128xf32, #tpu.memory_space<hbm>> -> memref<10000x128xf32, #tpu.memory_space<hbm>>
      tpu.wait_indirect_dma semaphore(%arg25 : memref<!tpu.dma_semaphore, #tpu.memory_space<semaphore_mem>>) src(%dma_wait3A_320 : memref<10000x128xf32, #tpu.memory_space<hbm>>) dst(%arg10 : memref<80x128xf32, #tpu.memory_space<vmem>>)
      %mul3A_321 = arith.constant 80 : i32
      %mul3A_322 = arith.muli %add3A_314, %mul3A_321 : i32
      %dma_wait3A_323 = tpu.memref_slice %arg7[%mul3A_322] : memref<10000xi32, #tpu.memory_space<vmem>> -> memref<80xi32, #tpu.memory_space<vmem>>
      %dma_wait3A_324 = arith.constant 0 : i32
      %dma_wait3A_325 = arith.constant 0 : i32
      %dma_wait3A_326 = tpu.memref_slice %arg2[%dma_wait3A_324, %dma_wait3A_325] : memref<10000x128xf32, #tpu.memory_space<hbm>> -> memref<10000x128xf32, #tpu.memory_space<hbm>>
      tpu.wait_indirect_dma semaphore(%arg25 : memref<!tpu.dma_semaphore, #tpu.memory_space<semaphore_mem>>) src(%dma_wait3A_326 : memref<10000x128xf32, #tpu.memory_space<hbm>>) dst(%arg15 : memref<80x128xf32, #tpu.memory_space<vmem>>)
      %ge3A_327 = arith.constant 5 : i32
      %ge3A_328 = arith.cmpi sge, %add3A_314, %ge3A_327 : i32
      %convert_element_type3A_329 = arith.extui %ge3A_328 : i1 to i32
      %cond3A_330 = arith.constant 0 : i32
      %cond3A_331 = arith.cmpi ne, %convert_element_type3A_329, %cond3A_330 : i32
      scf.if %cond3A_331 {
        %sub3A = arith.constant 5 : i32
        %sub3A_668 = arith.subi %add3A_314, %sub3A : i32
        %mul3A_669 = arith.constant 80 : i32
        %mul3A_670 = arith.muli %sub3A_668, %mul3A_669 : i32
        %add3A_671 = arith.addi %mul3A_2, %mul3A_670 : i32
        %dma_wait3A_672 = tpu.memref_slice %arg5[%add3A_671] : memref<320000xf32, #tpu.memory_space<hbm>> -> memref<80xf32, #tpu.memory_space<hbm>>
        %dma_wait3A_673 = tpu.memref_slice %arg5[%add3A_671] : memref<320000xf32, #tpu.memory_space<hbm>> -> memref<80xf32, #tpu.memory_space<hbm>>
        tpu.wait_dma2 semaphore(%arg30 : memref<!tpu.dma_semaphore, #tpu.memory_space<semaphore_mem>>) src(%arg20 : memref<80xf32, #tpu.memory_space<vmem>>) dst(%dma_wait3A_673 : memref<80xf32, #tpu.memory_space<hbm>>)
      } else {
      }
      %iota3A_332 = tpu.iota {dimensions = array<i32: 0>} : vector<16xi32>
      %broadcast_in_dim3A_333 = arith.constant 0.000000e+00 : f32
      %broadcast_in_dim3A_334 = vector.broadcast %broadcast_in_dim3A_333 : f32 to vector<16xf32>
      %swap3A_335 = arith.constant 0 : index
      %swap3A_336 = tpu.vector_load %arg20[%swap3A_335] {strides = array<i32>} : memref<80xf32, #tpu.memory_space<vmem>>, vector<16xf32>,
      tpu.vector_store %arg20[%swap3A_335], %broadcast_in_dim3A_334 {strides = array<i32>} : memref<80xf32, #tpu.memory_space<vmem>>, vector<16xf32>,
      %swap3A_337 = arith.constant 16 : index
      %swap3A_338 = tpu.vector_load %arg20[%swap3A_337] {strides = array<i32>} : memref<80xf32, #tpu.memory_space<vmem>>, vector<16xf32>,
      tpu.vector_store %arg20[%swap3A_337], %broadcast_in_dim3A_334 {strides = array<i32>} : memref<80xf32, #tpu.memory_space<vmem>>, vector<16xf32>,
      %swap3A_339 = arith.constant 32 : index
      %swap3A_340 = tpu.vector_load %arg20[%swap3A_339] {strides = array<i32>} : memref<80xf32, #tpu.memory_space<vmem>>, vector<16xf32>,
      tpu.vector_store %arg20[%swap3A_339], %broadcast_in_dim3A_334 {strides = array<i32>} : memref<80xf32, #tpu.memory_space<vmem>>, vector<16xf32>,
      %swap3A_341 = arith.constant 48 : index
      %swap3A_342 = tpu.vector_load %arg20[%swap3A_341] {strides = array<i32>} : memref<80xf32, #tpu.memory_space<vmem>>, vector<16xf32>,
      tpu.vector_store %arg20[%swap3A_341], %broadcast_in_dim3A_334 {strides = array<i32>} : memref<80xf32, #tpu.memory_space<vmem>>, vector<16xf32>,
      %swap3A_343 = arith.constant 64 : index
      %swap3A_344 = tpu.vector_load %arg20[%swap3A_343] {strides = array<i32>} : memref<80xf32, #tpu.memory_space<vmem>>, vector<16xf32>,
      tpu.vector_store %arg20[%swap3A_343], %broadcast_in_dim3A_334 {strides = array<i32>} : memref<80xf32, #tpu.memory_space<vmem>>, vector<16xf32>,
      %parallel_loop3A_345 = arith.constant 0 : i32
      %parallel_loop3A_346 = arith.constant 80 : i32
      %parallel_loop3A_347 = arith.constant 1 : i32
      scf.for %parallel_loop3A_668 = %parallel_loop3A_345 to %parallel_loop3A_346 step %parallel_loop3A_347  : i32 {
        %parallel_loop3A_669 = arith.constant -16 : i32
        %parallel_loop3A_670 = arith.andi %parallel_loop3A_668, %parallel_loop3A_669 : i32
        %parallel_loop3A_671 = arith.constant 15 : i32
        %parallel_loop3A_672 = arith.andi %parallel_loop3A_668, %parallel_loop3A_671 : i32
        %parallel_loop3A_673 = vector.broadcast %parallel_loop3A_670 : i32 to vector<16xi32>
        %parallel_loop3A_674 = arith.addi %iota3A_332, %parallel_loop3A_673 : vector<16xi32>
        %parallel_loop3A_675 = vector.broadcast %parallel_loop3A_672 : i32 to vector<16xi32>
        %parallel_loop3A_676 = arith.addi %iota3A_332, %parallel_loop3A_675 : vector<16xi32>
        %parallel_loop3A_677 = arith.constant 15 : i32
        %parallel_loop3A_678 = vector.broadcast %parallel_loop3A_677 : i32 to vector<16xi32>
        %parallel_loop3A_679 = arith.andi %parallel_loop3A_676, %parallel_loop3A_678 : vector<16xi32>
        %parallel_loop3A_680 = arith.constant 0 : i32
        %parallel_loop3A_681 = vector.broadcast %parallel_loop3A_680 : i32 to vector<16xi32>
        %parallel_loop3A_682 = arith.addi %parallel_loop3A_679, %parallel_loop3A_681 : vector<16xi32>
        %parallel_loop3A_683 = arith.constant 16 : i32
        %parallel_loop3A_684 = vector.broadcast %parallel_loop3A_683 : i32 to vector<16xi32>
        %parallel_loop3A_685 = arith.addi %parallel_loop3A_679, %parallel_loop3A_684 : vector<16xi32>
        %parallel_loop3A_686 = tpu.vector_load_idx %arg10[%parallel_loop3A_674, %parallel_loop3A_682] : memref<80x128xf32, #tpu.memory_space<vmem>>[vector<16xi32>, vector<16xi32>], vector<16xf32>,
        %parallel_loop3A_687 = tpu.vector_load_idx %arg15[%parallel_loop3A_674, %parallel_loop3A_682] : memref<80x128xf32, #tpu.memory_space<vmem>>[vector<16xi32>, vector<16xi32>], vector<16xf32>,
        %parallel_loop3A_688 = tpu.vector_load_idx %arg10[%parallel_loop3A_674, %parallel_loop3A_685] : memref<80x128xf32, #tpu.memory_space<vmem>>[vector<16xi32>, vector<16xi32>], vector<16xf32>,
        %parallel_loop3A_689 = tpu.vector_load_idx %arg15[%parallel_loop3A_674, %parallel_loop3A_685] : memref<80x128xf32, #tpu.memory_space<vmem>>[vector<16xi32>, vector<16xi32>], vector<16xf32>,
        %parallel_loop3A_690 = arith.mulf %parallel_loop3A_686, %parallel_loop3A_687 : vector<16xf32>
        %parallel_loop3A_691 = arith.mulf %parallel_loop3A_688, %parallel_loop3A_689 : vector<16xf32>
        %parallel_loop3A_692 = arith.addf %parallel_loop3A_690, %parallel_loop3A_691 : vector<16xf32>
        %parallel_loop3A_693 = arith.constant 32 : i32
        %parallel_loop3A_694 = vector.broadcast %parallel_loop3A_693 : i32 to vector<16xi32>
        %parallel_loop3A_695 = arith.addi %parallel_loop3A_679, %parallel_loop3A_694 : vector<16xi32>
        %parallel_loop3A_696 = arith.constant 48 : i32
        %parallel_loop3A_697 = vector.broadcast %parallel_loop3A_696 : i32 to vector<16xi32>
        %parallel_loop3A_698 = arith.addi %parallel_loop3A_679, %parallel_loop3A_697 : vector<16xi32>
        %parallel_loop3A_699 = tpu.vector_load_idx %arg10[%parallel_loop3A_674, %parallel_loop3A_695] : memref<80x128xf32, #tpu.memory_space<vmem>>[vector<16xi32>, vector<16xi32>], vector<16xf32>,
        %parallel_loop3A_700 = tpu.vector_load_idx %arg15[%parallel_loop3A_674, %parallel_loop3A_695] : memref<80x128xf32, #tpu.memory_space<vmem>>[vector<16xi32>, vector<16xi32>], vector<16xf32>,
        %parallel_loop3A_701 = tpu.vector_load_idx %arg10[%parallel_loop3A_674, %parallel_loop3A_698] : memref<80x128xf32, #tpu.memory_space<vmem>>[vector<16xi32>, vector<16xi32>], vector<16xf32>,
        %parallel_loop3A_702 = tpu.vector_load_idx %arg15[%parallel_loop3A_674, %parallel_loop3A_698] : memref<80x128xf32, #tpu.memory_space<vmem>>[vector<16xi32>, vector<16xi32>], vector<16xf32>,
        %parallel_loop3A_703 = arith.mulf %parallel_loop3A_699, %parallel_loop3A_700 : vector<16xf32>
        %parallel_loop3A_704 = arith.mulf %parallel_loop3A_701, %parallel_loop3A_702 : vector<16xf32>
        %parallel_loop3A_705 = arith.addf %parallel_loop3A_703, %parallel_loop3A_704 : vector<16xf32>
        %parallel_loop3A_706 = arith.constant 64 : i32
        %parallel_loop3A_707 = vector.broadcast %parallel_loop3A_706 : i32 to vector<16xi32>
        %parallel_loop3A_708 = arith.addi %parallel_loop3A_679, %parallel_loop3A_707 : vector<16xi32>
        %parallel_loop3A_709 = arith.constant 80 : i32
        %parallel_loop3A_710 = vector.broadcast %parallel_loop3A_709 : i32 to vector<16xi32>
        %parallel_loop3A_711 = arith.addi %parallel_loop3A_679, %parallel_loop3A_710 : vector<16xi32>
        %parallel_loop3A_712 = tpu.vector_load_idx %arg10[%parallel_loop3A_674, %parallel_loop3A_708] : memref<80x128xf32, #tpu.memory_space<vmem>>[vector<16xi32>, vector<16xi32>], vector<16xf32>,
        %parallel_loop3A_713 = tpu.vector_load_idx %arg15[%parallel_loop3A_674, %parallel_loop3A_708] : memref<80x128xf32, #tpu.memory_space<vmem>>[vector<16xi32>, vector<16xi32>], vector<16xf32>,
        %parallel_loop3A_714 = tpu.vector_load_idx %arg10[%parallel_loop3A_674, %parallel_loop3A_711] : memref<80x128xf32, #tpu.memory_space<vmem>>[vector<16xi32>, vector<16xi32>], vector<16xf32>,
        %parallel_loop3A_715 = tpu.vector_load_idx %arg15[%parallel_loop3A_674, %parallel_loop3A_711] : memref<80x128xf32, #tpu.memory_space<vmem>>[vector<16xi32>, vector<16xi32>], vector<16xf32>,
        %parallel_loop3A_716 = arith.mulf %parallel_loop3A_712, %parallel_loop3A_713 : vector<16xf32>
        %parallel_loop3A_717 = arith.mulf %parallel_loop3A_714, %parallel_loop3A_715 : vector<16xf32>
        %parallel_loop3A_718 = arith.addf %parallel_loop3A_716, %parallel_loop3A_717 : vector<16xf32>
        %parallel_loop3A_719 = arith.constant 96 : i32
        %parallel_loop3A_720 = vector.broadcast %parallel_loop3A_719 : i32 to vector<16xi32>
        %parallel_loop3A_721 = arith.addi %parallel_loop3A_679, %parallel_loop3A_720 : vector<16xi32>
        %parallel_loop3A_722 = arith.constant 112 : i32
        %parallel_loop3A_723 = vector.broadcast %parallel_loop3A_722 : i32 to vector<16xi32>
        %parallel_loop3A_724 = arith.addi %parallel_loop3A_679, %parallel_loop3A_723 : vector<16xi32>
        %parallel_loop3A_725 = tpu.vector_load_idx %arg10[%parallel_loop3A_674, %parallel_loop3A_721] : memref<80x128xf32, #tpu.memory_space<vmem>>[vector<16xi32>, vector<16xi32>], vector<16xf32>,
        %parallel_loop3A_726 = tpu.vector_load_idx %arg15[%parallel_loop3A_674, %parallel_loop3A_721] : memref<80x128xf32, #tpu.memory_space<vmem>>[vector<16xi32>, vector<16xi32>], vector<16xf32>,
        %parallel_loop3A_727 = tpu.vector_load_idx %arg10[%parallel_loop3A_674, %parallel_loop3A_724] : memref<80x128xf32, #tpu.memory_space<vmem>>[vector<16xi32>, vector<16xi32>], vector<16xf32>,
        %parallel_loop3A_728 = tpu.vector_load_idx %arg15[%parallel_loop3A_674, %parallel_loop3A_724] : memref<80x128xf32, #tpu.memory_space<vmem>>[vector<16xi32>, vector<16xi32>], vector<16xf32>,
        %parallel_loop3A_729 = arith.mulf %parallel_loop3A_725, %parallel_loop3A_726 : vector<16xf32>
        %parallel_loop3A_730 = arith.mulf %parallel_loop3A_727, %parallel_loop3A_728 : vector<16xf32>
        %parallel_loop3A_731 = arith.addf %parallel_loop3A_729, %parallel_loop3A_730 : vector<16xf32>
        %parallel_loop3A_732 = arith.addf %parallel_loop3A_692, %parallel_loop3A_705 : vector<16xf32>
        %parallel_loop3A_733 = arith.addf %parallel_loop3A_718, %parallel_loop3A_731 : vector<16xf32>
        %parallel_loop3A_734 = arith.addf %parallel_loop3A_732, %parallel_loop3A_733 : vector<16xf32>
        tpu.vector_store_idx %arg20[%parallel_loop3A_674], %parallel_loop3A_734 {add = true} : memref<80xf32, #tpu.memory_space<vmem>>[vector<16xi32>], vector<16xf32>,
      } {sc.loop_unroll_factor = 1 : i64, sc.parallel_access}
      %get3A_348 = arith.constant 0 : index
      %get3A_349 = tpu.vector_load %arg20[%get3A_348] {strides = array<i32>} : memref<80xf32, #tpu.memory_space<vmem>>, vector<16xf32>,
      %neg3A_350 = arith.constant 0.000000e+00 : f32
      %neg3A_351 = vector.broadcast %neg3A_350 : f32 to vector<16xf32>
      %neg3A_352 = arith.subf %neg3A_351, %get3A_349 : vector<16xf32>
      %exp3A_353 = math.exp %neg3A_352 : vector<16xf32>
      %add3A_354 = arith.constant 1.000000e+00 : f32
      %add3A_355 = vector.broadcast %add3A_354 : f32 to vector<16xf32>
      %add3A_356 = arith.addf %add3A_355, %exp3A_353 : vector<16xf32>
      %div3A_357 = arith.constant 1.000000e+00 : f32
      %div3A_358 = vector.broadcast %div3A_357 : f32 to vector<16xf32>
      %div3A_359 = arith.divf %div3A_358, %add3A_356 : vector<16xf32>
      %swap3A_360 = arith.constant 0 : index
      %swap3A_361 = tpu.vector_load %arg20[%swap3A_360] {strides = array<i32>} : memref<80xf32, #tpu.memory_space<vmem>>, vector<16xf32>,
      tpu.vector_store %arg20[%swap3A_360], %div3A_359 {strides = array<i32>} : memref<80xf32, #tpu.memory_space<vmem>>, vector<16xf32>,
      %get3A_362 = arith.constant 16 : index
      %get3A_363 = tpu.vector_load %arg20[%get3A_362] {strides = array<i32>} : memref<80xf32, #tpu.memory_space<vmem>>, vector<16xf32>,
      %neg3A_364 = arith.constant 0.000000e+00 : f32
      %neg3A_365 = vector.broadcast %neg3A_364 : f32 to vector<16xf32>
      %neg3A_366 = arith.subf %neg3A_365, %get3A_363 : vector<16xf32>
      %exp3A_367 = math.exp %neg3A_366 : vector<16xf32>
      %add3A_368 = arith.constant 1.000000e+00 : f32
      %add3A_369 = vector.broadcast %add3A_368 : f32 to vector<16xf32>
      %add3A_370 = arith.addf %add3A_369, %exp3A_367 : vector<16xf32>
      %div3A_371 = arith.constant 1.000000e+00 : f32
      %div3A_372 = vector.broadcast %div3A_371 : f32 to vector<16xf32>
      %div3A_373 = arith.divf %div3A_372, %add3A_370 : vector<16xf32>
      %swap3A_374 = arith.constant 16 : index
      %swap3A_375 = tpu.vector_load %arg20[%swap3A_374] {strides = array<i32>} : memref<80xf32, #tpu.memory_space<vmem>>, vector<16xf32>,
      tpu.vector_store %arg20[%swap3A_374], %div3A_373 {strides = array<i32>} : memref<80xf32, #tpu.memory_space<vmem>>, vector<16xf32>,
      %get3A_376 = arith.constant 32 : index
      %get3A_377 = tpu.vector_load %arg20[%get3A_376] {strides = array<i32>} : memref<80xf32, #tpu.memory_space<vmem>>, vector<16xf32>,
      %neg3A_378 = arith.constant 0.000000e+00 : f32
      %neg3A_379 = vector.broadcast %neg3A_378 : f32 to vector<16xf32>
      %neg3A_380 = arith.subf %neg3A_379, %get3A_377 : vector<16xf32>
      %exp3A_381 = math.exp %neg3A_380 : vector<16xf32>
      %add3A_382 = arith.constant 1.000000e+00 : f32
      %add3A_383 = vector.broadcast %add3A_382 : f32 to vector<16xf32>
      %add3A_384 = arith.addf %add3A_383, %exp3A_381 : vector<16xf32>
      %div3A_385 = arith.constant 1.000000e+00 : f32
      %div3A_386 = vector.broadcast %div3A_385 : f32 to vector<16xf32>
      %div3A_387 = arith.divf %div3A_386, %add3A_384 : vector<16xf32>
      %swap3A_388 = arith.constant 32 : index
      %swap3A_389 = tpu.vector_load %arg20[%swap3A_388] {strides = array<i32>} : memref<80xf32, #tpu.memory_space<vmem>>, vector<16xf32>,
      tpu.vector_store %arg20[%swap3A_388], %div3A_387 {strides = array<i32>} : memref<80xf32, #tpu.memory_space<vmem>>, vector<16xf32>,
      %get3A_390 = arith.constant 48 : index
      %get3A_391 = tpu.vector_load %arg20[%get3A_390] {strides = array<i32>} : memref<80xf32, #tpu.memory_space<vmem>>, vector<16xf32>,
      %neg3A_392 = arith.constant 0.000000e+00 : f32
      %neg3A_393 = vector.broadcast %neg3A_392 : f32 to vector<16xf32>
      %neg3A_394 = arith.subf %neg3A_393, %get3A_391 : vector<16xf32>
      %exp3A_395 = math.exp %neg3A_394 : vector<16xf32>
      %add3A_396 = arith.constant 1.000000e+00 : f32
      %add3A_397 = vector.broadcast %add3A_396 : f32 to vector<16xf32>
      %add3A_398 = arith.addf %add3A_397, %exp3A_395 : vector<16xf32>
      %div3A_399 = arith.constant 1.000000e+00 : f32
      %div3A_400 = vector.broadcast %div3A_399 : f32 to vector<16xf32>
      %div3A_401 = arith.divf %div3A_400, %add3A_398 : vector<16xf32>
      %swap3A_402 = arith.constant 48 : index
      %swap3A_403 = tpu.vector_load %arg20[%swap3A_402] {strides = array<i32>} : memref<80xf32, #tpu.memory_space<vmem>>, vector<16xf32>,
      tpu.vector_store %arg20[%swap3A_402], %div3A_401 {strides = array<i32>} : memref<80xf32, #tpu.memory_space<vmem>>, vector<16xf32>,
      %get3A_404 = arith.constant 64 : index
      %get3A_405 = tpu.vector_load %arg20[%get3A_404] {strides = array<i32>} : memref<80xf32, #tpu.memory_space<vmem>>, vector<16xf32>,
      %neg3A_406 = arith.constant 0.000000e+00 : f32
      %neg3A_407 = vector.broadcast %neg3A_406 : f32 to vector<16xf32>
      %neg3A_408 = arith.subf %neg3A_407, %get3A_405 : vector<16xf32>
      %exp3A_409 = math.exp %neg3A_408 : vector<16xf32>
      %add3A_410 = arith.constant 1.000000e+00 : f32
      %add3A_411 = vector.broadcast %add3A_410 : f32 to vector<16xf32>
      %add3A_412 = arith.addf %add3A_411, %exp3A_409 : vector<16xf32>
      %div3A_413 = arith.constant 1.000000e+00 : f32
      %div3A_414 = vector.broadcast %div3A_413 : f32 to vector<16xf32>
      %div3A_415 = arith.divf %div3A_414, %add3A_412 : vector<16xf32>
      %swap3A_416 = arith.constant 64 : index
      %swap3A_417 = tpu.vector_load %arg20[%swap3A_416] {strides = array<i32>} : memref<80xf32, #tpu.memory_space<vmem>>, vector<16xf32>,
      tpu.vector_store %arg20[%swap3A_416], %div3A_415 {strides = array<i32>} : memref<80xf32, #tpu.memory_space<vmem>>, vector<16xf32>,
      %mul3A_418 = arith.constant 80 : i32
      %mul3A_419 = arith.muli %add3A_314, %mul3A_418 : i32
      %add3A_420 = arith.addi %mul3A_2, %mul3A_419 : i32
      %dma_start3A_421 = tpu.memref_slice %arg5[%add3A_420] : memref<320000xf32, #tpu.memory_space<hbm>> -> memref<80xf32, #tpu.memory_space<hbm>>
      %dma_start3A_422 = tpu.memref_slice %arg5[%add3A_420] : memref<320000xf32, #tpu.memory_space<hbm>> -> memref<80xf32, #tpu.memory_space<hbm>>
      tpu.enqueue_dma source(%arg20 : memref<80xf32, #tpu.memory_space<vmem>>) target(%dma_start3A_422 : memref<80xf32, #tpu.memory_space<hbm>>) target_semaphore(%arg30 : memref<!tpu.dma_semaphore, #tpu.memory_space<semaphore_mem>>)
      %add3A_423 = arith.constant 5 : i32
      %add3A_424 = arith.addi %add3A_314, %add3A_423 : i32
      %lt3A_425 = arith.constant 125 : i32
      %lt3A_426 = arith.cmpi slt, %add3A_424, %lt3A_425 : i32
      %convert_element_type3A_427 = arith.extui %lt3A_426 : i1 to i32
      %cond3A_428 = arith.constant 0 : i32
      %cond3A_429 = arith.cmpi ne, %convert_element_type3A_427, %cond3A_428 : i32
      scf.if %cond3A_429 {
        %add3A_668 = arith.constant 5 : i32
        %add3A_669 = arith.addi %add3A_314, %add3A_668 : i32
        %mul3A_670 = arith.constant 80 : i32
        %mul3A_671 = arith.muli %add3A_669, %mul3A_670 : i32
        %dma_start3A_672 = tpu.memref_slice %arg6[%mul3A_671] : memref<10000xi32, #tpu.memory_space<vmem>> -> memref<80xi32, #tpu.memory_space<vmem>>
        %dma_start3A_673 = arith.constant 0 : i32
        %dma_start3A_674 = arith.constant 0 : i32
        %dma_start3A_675 = tpu.memref_slice %arg2[%dma_start3A_673, %dma_start3A_674] : memref<10000x128xf32, #tpu.memory_space<hbm>> -> memref<10000x128xf32, #tpu.memory_space<hbm>>
        tpu.enqueue_indirect_dma source(%dma_start3A_675 : memref<10000x128xf32, #tpu.memory_space<hbm>>) target(%arg10 : memref<80x128xf32, #tpu.memory_space<vmem>>) offsets(%dma_start3A_672 : memref<80xi32, #tpu.memory_space<vmem>>) semaphore(%arg25 : memref<!tpu.dma_semaphore, #tpu.memory_space<semaphore_mem>>)
        %mul3A_676 = arith.constant 80 : i32
        %mul3A_677 = arith.muli %add3A_669, %mul3A_676 : i32
        %dma_start3A_678 = tpu.memref_slice %arg7[%mul3A_677] : memref<10000xi32, #tpu.memory_space<vmem>> -> memref<80xi32, #tpu.memory_space<vmem>>
        %dma_start3A_679 = arith.constant 0 : i32
        %dma_start3A_680 = arith.constant 0 : i32
        %dma_start3A_681 = tpu.memref_slice %arg2[%dma_start3A_679, %dma_start3A_680] : memref<10000x128xf32, #tpu.memory_space<hbm>> -> memref<10000x128xf32, #tpu.memory_space<hbm>>
        tpu.enqueue_indirect_dma source(%dma_start3A_681 : memref<10000x128xf32, #tpu.memory_space<hbm>>) target(%arg15 : memref<80x128xf32, #tpu.memory_space<vmem>>) offsets(%dma_start3A_678 : memref<80xi32, #tpu.memory_space<vmem>>) semaphore(%arg25 : memref<!tpu.dma_semaphore, #tpu.memory_space<semaphore_mem>>)
      } else {
      }
      %mul3A_430 = arith.constant 5 : i32
      %mul3A_431 = arith.muli %scan3A_84, %mul3A_430 : i32
      %add3A_432 = arith.constant 3 : i32
      %add3A_433 = arith.addi %mul3A_431, %add3A_432 : i32
      %mul3A_434 = arith.constant 80 : i32
      %mul3A_435 = arith.muli %add3A_433, %mul3A_434 : i32
      %dma_wait3A_436 = tpu.memref_slice %arg6[%mul3A_435] : memref<10000xi32, #tpu.memory_space<vmem>> -> memref<80xi32, #tpu.memory_space<vmem>>
      %dma_wait3A_437 = arith.constant 0 : i32
      %dma_wait3A_438 = arith.constant 0 : i32
      %dma_wait3A_439 = tpu.memref_slice %arg2[%dma_wait3A_437, %dma_wait3A_438] : memref<10000x128xf32, #tpu.memory_space<hbm>> -> memref<10000x128xf32, #tpu.memory_space<hbm>>
      tpu.wait_indirect_dma semaphore(%arg26 : memref<!tpu.dma_semaphore, #tpu.memory_space<semaphore_mem>>) src(%dma_wait3A_439 : memref<10000x128xf32, #tpu.memory_space<hbm>>) dst(%arg11 : memref<80x128xf32, #tpu.memory_space<vmem>>)
      %mul3A_440 = arith.constant 80 : i32
      %mul3A_441 = arith.muli %add3A_433, %mul3A_440 : i32
      %dma_wait3A_442 = tpu.memref_slice %arg7[%mul3A_441] : memref<10000xi32, #tpu.memory_space<vmem>> -> memref<80xi32, #tpu.memory_space<vmem>>
      %dma_wait3A_443 = arith.constant 0 : i32
      %dma_wait3A_444 = arith.constant 0 : i32
      %dma_wait3A_445 = tpu.memref_slice %arg2[%dma_wait3A_443, %dma_wait3A_444] : memref<10000x128xf32, #tpu.memory_space<hbm>> -> memref<10000x128xf32, #tpu.memory_space<hbm>>
      tpu.wait_indirect_dma semaphore(%arg26 : memref<!tpu.dma_semaphore, #tpu.memory_space<semaphore_mem>>) src(%dma_wait3A_445 : memref<10000x128xf32, #tpu.memory_space<hbm>>) dst(%arg16 : memref<80x128xf32, #tpu.memory_space<vmem>>)
      %ge3A_446 = arith.constant 5 : i32
      %ge3A_447 = arith.cmpi sge, %add3A_433, %ge3A_446 : i32
      %convert_element_type3A_448 = arith.extui %ge3A_447 : i1 to i32
      %cond3A_449 = arith.constant 0 : i32
      %cond3A_450 = arith.cmpi ne, %convert_element_type3A_448, %cond3A_449 : i32
      scf.if %cond3A_450 {
        %sub3A = arith.constant 5 : i32
        %sub3A_668 = arith.subi %add3A_433, %sub3A : i32
        %mul3A_669 = arith.constant 80 : i32
        %mul3A_670 = arith.muli %sub3A_668, %mul3A_669 : i32
        %add3A_671 = arith.addi %mul3A_2, %mul3A_670 : i32
        %dma_wait3A_672 = tpu.memref_slice %arg5[%add3A_671] : memref<320000xf32, #tpu.memory_space<hbm>> -> memref<80xf32, #tpu.memory_space<hbm>>
        %dma_wait3A_673 = tpu.memref_slice %arg5[%add3A_671] : memref<320000xf32, #tpu.memory_space<hbm>> -> memref<80xf32, #tpu.memory_space<hbm>>
        tpu.wait_dma2 semaphore(%arg31 : memref<!tpu.dma_semaphore, #tpu.memory_space<semaphore_mem>>) src(%arg21 : memref<80xf32, #tpu.memory_space<vmem>>) dst(%dma_wait3A_673 : memref<80xf32, #tpu.memory_space<hbm>>)
      } else {
      }
      %iota3A_451 = tpu.iota {dimensions = array<i32: 0>} : vector<16xi32>
      %broadcast_in_dim3A_452 = arith.constant 0.000000e+00 : f32
      %broadcast_in_dim3A_453 = vector.broadcast %broadcast_in_dim3A_452 : f32 to vector<16xf32>
      %swap3A_454 = arith.constant 0 : index
      %swap3A_455 = tpu.vector_load %arg21[%swap3A_454] {strides = array<i32>} : memref<80xf32, #tpu.memory_space<vmem>>, vector<16xf32>,
      tpu.vector_store %arg21[%swap3A_454], %broadcast_in_dim3A_453 {strides = array<i32>} : memref<80xf32, #tpu.memory_space<vmem>>, vector<16xf32>,
      %swap3A_456 = arith.constant 16 : index
      %swap3A_457 = tpu.vector_load %arg21[%swap3A_456] {strides = array<i32>} : memref<80xf32, #tpu.memory_space<vmem>>, vector<16xf32>,
      tpu.vector_store %arg21[%swap3A_456], %broadcast_in_dim3A_453 {strides = array<i32>} : memref<80xf32, #tpu.memory_space<vmem>>, vector<16xf32>,
      %swap3A_458 = arith.constant 32 : index
      %swap3A_459 = tpu.vector_load %arg21[%swap3A_458] {strides = array<i32>} : memref<80xf32, #tpu.memory_space<vmem>>, vector<16xf32>,
      tpu.vector_store %arg21[%swap3A_458], %broadcast_in_dim3A_453 {strides = array<i32>} : memref<80xf32, #tpu.memory_space<vmem>>, vector<16xf32>,
      %swap3A_460 = arith.constant 48 : index
      %swap3A_461 = tpu.vector_load %arg21[%swap3A_460] {strides = array<i32>} : memref<80xf32, #tpu.memory_space<vmem>>, vector<16xf32>,
      tpu.vector_store %arg21[%swap3A_460], %broadcast_in_dim3A_453 {strides = array<i32>} : memref<80xf32, #tpu.memory_space<vmem>>, vector<16xf32>,
      %swap3A_462 = arith.constant 64 : index
      %swap3A_463 = tpu.vector_load %arg21[%swap3A_462] {strides = array<i32>} : memref<80xf32, #tpu.memory_space<vmem>>, vector<16xf32>,
      tpu.vector_store %arg21[%swap3A_462], %broadcast_in_dim3A_453 {strides = array<i32>} : memref<80xf32, #tpu.memory_space<vmem>>, vector<16xf32>,
      %parallel_loop3A_464 = arith.constant 0 : i32
      %parallel_loop3A_465 = arith.constant 80 : i32
      %parallel_loop3A_466 = arith.constant 1 : i32
      scf.for %parallel_loop3A_668 = %parallel_loop3A_464 to %parallel_loop3A_465 step %parallel_loop3A_466  : i32 {
        %parallel_loop3A_669 = arith.constant -16 : i32
        %parallel_loop3A_670 = arith.andi %parallel_loop3A_668, %parallel_loop3A_669 : i32
        %parallel_loop3A_671 = arith.constant 15 : i32
        %parallel_loop3A_672 = arith.andi %parallel_loop3A_668, %parallel_loop3A_671 : i32
        %parallel_loop3A_673 = vector.broadcast %parallel_loop3A_670 : i32 to vector<16xi32>
        %parallel_loop3A_674 = arith.addi %iota3A_451, %parallel_loop3A_673 : vector<16xi32>
        %parallel_loop3A_675 = vector.broadcast %parallel_loop3A_672 : i32 to vector<16xi32>
        %parallel_loop3A_676 = arith.addi %iota3A_451, %parallel_loop3A_675 : vector<16xi32>
        %parallel_loop3A_677 = arith.constant 15 : i32
        %parallel_loop3A_678 = vector.broadcast %parallel_loop3A_677 : i32 to vector<16xi32>
        %parallel_loop3A_679 = arith.andi %parallel_loop3A_676, %parallel_loop3A_678 : vector<16xi32>
        %parallel_loop3A_680 = arith.constant 0 : i32
        %parallel_loop3A_681 = vector.broadcast %parallel_loop3A_680 : i32 to vector<16xi32>
        %parallel_loop3A_682 = arith.addi %parallel_loop3A_679, %parallel_loop3A_681 : vector<16xi32>
        %parallel_loop3A_683 = arith.constant 16 : i32
        %parallel_loop3A_684 = vector.broadcast %parallel_loop3A_683 : i32 to vector<16xi32>
        %parallel_loop3A_685 = arith.addi %parallel_loop3A_679, %parallel_loop3A_684 : vector<16xi32>
        %parallel_loop3A_686 = tpu.vector_load_idx %arg11[%parallel_loop3A_674, %parallel_loop3A_682] : memref<80x128xf32, #tpu.memory_space<vmem>>[vector<16xi32>, vector<16xi32>], vector<16xf32>,
        %parallel_loop3A_687 = tpu.vector_load_idx %arg16[%parallel_loop3A_674, %parallel_loop3A_682] : memref<80x128xf32, #tpu.memory_space<vmem>>[vector<16xi32>, vector<16xi32>], vector<16xf32>,
        %parallel_loop3A_688 = tpu.vector_load_idx %arg11[%parallel_loop3A_674, %parallel_loop3A_685] : memref<80x128xf32, #tpu.memory_space<vmem>>[vector<16xi32>, vector<16xi32>], vector<16xf32>,
        %parallel_loop3A_689 = tpu.vector_load_idx %arg16[%parallel_loop3A_674, %parallel_loop3A_685] : memref<80x128xf32, #tpu.memory_space<vmem>>[vector<16xi32>, vector<16xi32>], vector<16xf32>,
        %parallel_loop3A_690 = arith.mulf %parallel_loop3A_686, %parallel_loop3A_687 : vector<16xf32>
        %parallel_loop3A_691 = arith.mulf %parallel_loop3A_688, %parallel_loop3A_689 : vector<16xf32>
        %parallel_loop3A_692 = arith.addf %parallel_loop3A_690, %parallel_loop3A_691 : vector<16xf32>
        %parallel_loop3A_693 = arith.constant 32 : i32
        %parallel_loop3A_694 = vector.broadcast %parallel_loop3A_693 : i32 to vector<16xi32>
        %parallel_loop3A_695 = arith.addi %parallel_loop3A_679, %parallel_loop3A_694 : vector<16xi32>
        %parallel_loop3A_696 = arith.constant 48 : i32
        %parallel_loop3A_697 = vector.broadcast %parallel_loop3A_696 : i32 to vector<16xi32>
        %parallel_loop3A_698 = arith.addi %parallel_loop3A_679, %parallel_loop3A_697 : vector<16xi32>
        %parallel_loop3A_699 = tpu.vector_load_idx %arg11[%parallel_loop3A_674, %parallel_loop3A_695] : memref<80x128xf32, #tpu.memory_space<vmem>>[vector<16xi32>, vector<16xi32>], vector<16xf32>,
        %parallel_loop3A_700 = tpu.vector_load_idx %arg16[%parallel_loop3A_674, %parallel_loop3A_695] : memref<80x128xf32, #tpu.memory_space<vmem>>[vector<16xi32>, vector<16xi32>], vector<16xf32>,
        %parallel_loop3A_701 = tpu.vector_load_idx %arg11[%parallel_loop3A_674, %parallel_loop3A_698] : memref<80x128xf32, #tpu.memory_space<vmem>>[vector<16xi32>, vector<16xi32>], vector<16xf32>,
        %parallel_loop3A_702 = tpu.vector_load_idx %arg16[%parallel_loop3A_674, %parallel_loop3A_698] : memref<80x128xf32, #tpu.memory_space<vmem>>[vector<16xi32>, vector<16xi32>], vector<16xf32>,
        %parallel_loop3A_703 = arith.mulf %parallel_loop3A_699, %parallel_loop3A_700 : vector<16xf32>
        %parallel_loop3A_704 = arith.mulf %parallel_loop3A_701, %parallel_loop3A_702 : vector<16xf32>
        %parallel_loop3A_705 = arith.addf %parallel_loop3A_703, %parallel_loop3A_704 : vector<16xf32>
        %parallel_loop3A_706 = arith.constant 64 : i32
        %parallel_loop3A_707 = vector.broadcast %parallel_loop3A_706 : i32 to vector<16xi32>
        %parallel_loop3A_708 = arith.addi %parallel_loop3A_679, %parallel_loop3A_707 : vector<16xi32>
        %parallel_loop3A_709 = arith.constant 80 : i32
        %parallel_loop3A_710 = vector.broadcast %parallel_loop3A_709 : i32 to vector<16xi32>
        %parallel_loop3A_711 = arith.addi %parallel_loop3A_679, %parallel_loop3A_710 : vector<16xi32>
        %parallel_loop3A_712 = tpu.vector_load_idx %arg11[%parallel_loop3A_674, %parallel_loop3A_708] : memref<80x128xf32, #tpu.memory_space<vmem>>[vector<16xi32>, vector<16xi32>], vector<16xf32>,
        %parallel_loop3A_713 = tpu.vector_load_idx %arg16[%parallel_loop3A_674, %parallel_loop3A_708] : memref<80x128xf32, #tpu.memory_space<vmem>>[vector<16xi32>, vector<16xi32>], vector<16xf32>,
        %parallel_loop3A_714 = tpu.vector_load_idx %arg11[%parallel_loop3A_674, %parallel_loop3A_711] : memref<80x128xf32, #tpu.memory_space<vmem>>[vector<16xi32>, vector<16xi32>], vector<16xf32>,
        %parallel_loop3A_715 = tpu.vector_load_idx %arg16[%parallel_loop3A_674, %parallel_loop3A_711] : memref<80x128xf32, #tpu.memory_space<vmem>>[vector<16xi32>, vector<16xi32>], vector<16xf32>,
        %parallel_loop3A_716 = arith.mulf %parallel_loop3A_712, %parallel_loop3A_713 : vector<16xf32>
        %parallel_loop3A_717 = arith.mulf %parallel_loop3A_714, %parallel_loop3A_715 : vector<16xf32>
        %parallel_loop3A_718 = arith.addf %parallel_loop3A_716, %parallel_loop3A_717 : vector<16xf32>
        %parallel_loop3A_719 = arith.constant 96 : i32
        %parallel_loop3A_720 = vector.broadcast %parallel_loop3A_719 : i32 to vector<16xi32>
        %parallel_loop3A_721 = arith.addi %parallel_loop3A_679, %parallel_loop3A_720 : vector<16xi32>
        %parallel_loop3A_722 = arith.constant 112 : i32
        %parallel_loop3A_723 = vector.broadcast %parallel_loop3A_722 : i32 to vector<16xi32>
        %parallel_loop3A_724 = arith.addi %parallel_loop3A_679, %parallel_loop3A_723 : vector<16xi32>
        %parallel_loop3A_725 = tpu.vector_load_idx %arg11[%parallel_loop3A_674, %parallel_loop3A_721] : memref<80x128xf32, #tpu.memory_space<vmem>>[vector<16xi32>, vector<16xi32>], vector<16xf32>,
        %parallel_loop3A_726 = tpu.vector_load_idx %arg16[%parallel_loop3A_674, %parallel_loop3A_721] : memref<80x128xf32, #tpu.memory_space<vmem>>[vector<16xi32>, vector<16xi32>], vector<16xf32>,
        %parallel_loop3A_727 = tpu.vector_load_idx %arg11[%parallel_loop3A_674, %parallel_loop3A_724] : memref<80x128xf32, #tpu.memory_space<vmem>>[vector<16xi32>, vector<16xi32>], vector<16xf32>,
        %parallel_loop3A_728 = tpu.vector_load_idx %arg16[%parallel_loop3A_674, %parallel_loop3A_724] : memref<80x128xf32, #tpu.memory_space<vmem>>[vector<16xi32>, vector<16xi32>], vector<16xf32>,
        %parallel_loop3A_729 = arith.mulf %parallel_loop3A_725, %parallel_loop3A_726 : vector<16xf32>
        %parallel_loop3A_730 = arith.mulf %parallel_loop3A_727, %parallel_loop3A_728 : vector<16xf32>
        %parallel_loop3A_731 = arith.addf %parallel_loop3A_729, %parallel_loop3A_730 : vector<16xf32>
        %parallel_loop3A_732 = arith.addf %parallel_loop3A_692, %parallel_loop3A_705 : vector<16xf32>
        %parallel_loop3A_733 = arith.addf %parallel_loop3A_718, %parallel_loop3A_731 : vector<16xf32>
        %parallel_loop3A_734 = arith.addf %parallel_loop3A_732, %parallel_loop3A_733 : vector<16xf32>
        tpu.vector_store_idx %arg21[%parallel_loop3A_674], %parallel_loop3A_734 {add = true} : memref<80xf32, #tpu.memory_space<vmem>>[vector<16xi32>], vector<16xf32>,
      } {sc.loop_unroll_factor = 1 : i64, sc.parallel_access}
      %get3A_467 = arith.constant 0 : index
      %get3A_468 = tpu.vector_load %arg21[%get3A_467] {strides = array<i32>} : memref<80xf32, #tpu.memory_space<vmem>>, vector<16xf32>,
      %neg3A_469 = arith.constant 0.000000e+00 : f32
      %neg3A_470 = vector.broadcast %neg3A_469 : f32 to vector<16xf32>
      %neg3A_471 = arith.subf %neg3A_470, %get3A_468 : vector<16xf32>
      %exp3A_472 = math.exp %neg3A_471 : vector<16xf32>
      %add3A_473 = arith.constant 1.000000e+00 : f32
      %add3A_474 = vector.broadcast %add3A_473 : f32 to vector<16xf32>
      %add3A_475 = arith.addf %add3A_474, %exp3A_472 : vector<16xf32>
      %div3A_476 = arith.constant 1.000000e+00 : f32
      %div3A_477 = vector.broadcast %div3A_476 : f32 to vector<16xf32>
      %div3A_478 = arith.divf %div3A_477, %add3A_475 : vector<16xf32>
      %swap3A_479 = arith.constant 0 : index
      %swap3A_480 = tpu.vector_load %arg21[%swap3A_479] {strides = array<i32>} : memref<80xf32, #tpu.memory_space<vmem>>, vector<16xf32>,
      tpu.vector_store %arg21[%swap3A_479], %div3A_478 {strides = array<i32>} : memref<80xf32, #tpu.memory_space<vmem>>, vector<16xf32>,
      %get3A_481 = arith.constant 16 : index
      %get3A_482 = tpu.vector_load %arg21[%get3A_481] {strides = array<i32>} : memref<80xf32, #tpu.memory_space<vmem>>, vector<16xf32>,
      %neg3A_483 = arith.constant 0.000000e+00 : f32
      %neg3A_484 = vector.broadcast %neg3A_483 : f32 to vector<16xf32>
      %neg3A_485 = arith.subf %neg3A_484, %get3A_482 : vector<16xf32>
      %exp3A_486 = math.exp %neg3A_485 : vector<16xf32>
      %add3A_487 = arith.constant 1.000000e+00 : f32
      %add3A_488 = vector.broadcast %add3A_487 : f32 to vector<16xf32>
      %add3A_489 = arith.addf %add3A_488, %exp3A_486 : vector<16xf32>
      %div3A_490 = arith.constant 1.000000e+00 : f32
      %div3A_491 = vector.broadcast %div3A_490 : f32 to vector<16xf32>
      %div3A_492 = arith.divf %div3A_491, %add3A_489 : vector<16xf32>
      %swap3A_493 = arith.constant 16 : index
      %swap3A_494 = tpu.vector_load %arg21[%swap3A_493] {strides = array<i32>} : memref<80xf32, #tpu.memory_space<vmem>>, vector<16xf32>,
      tpu.vector_store %arg21[%swap3A_493], %div3A_492 {strides = array<i32>} : memref<80xf32, #tpu.memory_space<vmem>>, vector<16xf32>,
      %get3A_495 = arith.constant 32 : index
      %get3A_496 = tpu.vector_load %arg21[%get3A_495] {strides = array<i32>} : memref<80xf32, #tpu.memory_space<vmem>>, vector<16xf32>,
      %neg3A_497 = arith.constant 0.000000e+00 : f32
      %neg3A_498 = vector.broadcast %neg3A_497 : f32 to vector<16xf32>
      %neg3A_499 = arith.subf %neg3A_498, %get3A_496 : vector<16xf32>
      %exp3A_500 = math.exp %neg3A_499 : vector<16xf32>
      %add3A_501 = arith.constant 1.000000e+00 : f32
      %add3A_502 = vector.broadcast %add3A_501 : f32 to vector<16xf32>
      %add3A_503 = arith.addf %add3A_502, %exp3A_500 : vector<16xf32>
      %div3A_504 = arith.constant 1.000000e+00 : f32
      %div3A_505 = vector.broadcast %div3A_504 : f32 to vector<16xf32>
      %div3A_506 = arith.divf %div3A_505, %add3A_503 : vector<16xf32>
      %swap3A_507 = arith.constant 32 : index
      %swap3A_508 = tpu.vector_load %arg21[%swap3A_507] {strides = array<i32>} : memref<80xf32, #tpu.memory_space<vmem>>, vector<16xf32>,
      tpu.vector_store %arg21[%swap3A_507], %div3A_506 {strides = array<i32>} : memref<80xf32, #tpu.memory_space<vmem>>, vector<16xf32>,
      %get3A_509 = arith.constant 48 : index
      %get3A_510 = tpu.vector_load %arg21[%get3A_509] {strides = array<i32>} : memref<80xf32, #tpu.memory_space<vmem>>, vector<16xf32>,
      %neg3A_511 = arith.constant 0.000000e+00 : f32
      %neg3A_512 = vector.broadcast %neg3A_511 : f32 to vector<16xf32>
      %neg3A_513 = arith.subf %neg3A_512, %get3A_510 : vector<16xf32>
      %exp3A_514 = math.exp %neg3A_513 : vector<16xf32>
      %add3A_515 = arith.constant 1.000000e+00 : f32
      %add3A_516 = vector.broadcast %add3A_515 : f32 to vector<16xf32>
      %add3A_517 = arith.addf %add3A_516, %exp3A_514 : vector<16xf32>
      %div3A_518 = arith.constant 1.000000e+00 : f32
      %div3A_519 = vector.broadcast %div3A_518 : f32 to vector<16xf32>
      %div3A_520 = arith.divf %div3A_519, %add3A_517 : vector<16xf32>
      %swap3A_521 = arith.constant 48 : index
      %swap3A_522 = tpu.vector_load %arg21[%swap3A_521] {strides = array<i32>} : memref<80xf32, #tpu.memory_space<vmem>>, vector<16xf32>,
      tpu.vector_store %arg21[%swap3A_521], %div3A_520 {strides = array<i32>} : memref<80xf32, #tpu.memory_space<vmem>>, vector<16xf32>,
      %get3A_523 = arith.constant 64 : index
      %get3A_524 = tpu.vector_load %arg21[%get3A_523] {strides = array<i32>} : memref<80xf32, #tpu.memory_space<vmem>>, vector<16xf32>,
      %neg3A_525 = arith.constant 0.000000e+00 : f32
      %neg3A_526 = vector.broadcast %neg3A_525 : f32 to vector<16xf32>
      %neg3A_527 = arith.subf %neg3A_526, %get3A_524 : vector<16xf32>
      %exp3A_528 = math.exp %neg3A_527 : vector<16xf32>
      %add3A_529 = arith.constant 1.000000e+00 : f32
      %add3A_530 = vector.broadcast %add3A_529 : f32 to vector<16xf32>
      %add3A_531 = arith.addf %add3A_530, %exp3A_528 : vector<16xf32>
      %div3A_532 = arith.constant 1.000000e+00 : f32
      %div3A_533 = vector.broadcast %div3A_532 : f32 to vector<16xf32>
      %div3A_534 = arith.divf %div3A_533, %add3A_531 : vector<16xf32>
      %swap3A_535 = arith.constant 64 : index
      %swap3A_536 = tpu.vector_load %arg21[%swap3A_535] {strides = array<i32>} : memref<80xf32, #tpu.memory_space<vmem>>, vector<16xf32>,
      tpu.vector_store %arg21[%swap3A_535], %div3A_534 {strides = array<i32>} : memref<80xf32, #tpu.memory_space<vmem>>, vector<16xf32>,
      %mul3A_537 = arith.constant 80 : i32
      %mul3A_538 = arith.muli %add3A_433, %mul3A_537 : i32
      %add3A_539 = arith.addi %mul3A_2, %mul3A_538 : i32
      %dma_start3A_540 = tpu.memref_slice %arg5[%add3A_539] : memref<320000xf32, #tpu.memory_space<hbm>> -> memref<80xf32, #tpu.memory_space<hbm>>
      %dma_start3A_541 = tpu.memref_slice %arg5[%add3A_539] : memref<320000xf32, #tpu.memory_space<hbm>> -> memref<80xf32, #tpu.memory_space<hbm>>
      tpu.enqueue_dma source(%arg21 : memref<80xf32, #tpu.memory_space<vmem>>) target(%dma_start3A_541 : memref<80xf32, #tpu.memory_space<hbm>>) target_semaphore(%arg31 : memref<!tpu.dma_semaphore, #tpu.memory_space<semaphore_mem>>)
      %add3A_542 = arith.constant 5 : i32
      %add3A_543 = arith.addi %add3A_433, %add3A_542 : i32
      %lt3A_544 = arith.constant 125 : i32
      %lt3A_545 = arith.cmpi slt, %add3A_543, %lt3A_544 : i32
      %convert_element_type3A_546 = arith.extui %lt3A_545 : i1 to i32
      %cond3A_547 = arith.constant 0 : i32
      %cond3A_548 = arith.cmpi ne, %convert_element_type3A_546, %cond3A_547 : i32
      scf.if %cond3A_548 {
        %add3A_668 = arith.constant 5 : i32
        %add3A_669 = arith.addi %add3A_433, %add3A_668 : i32
        %mul3A_670 = arith.constant 80 : i32
        %mul3A_671 = arith.muli %add3A_669, %mul3A_670 : i32
        %dma_start3A_672 = tpu.memref_slice %arg6[%mul3A_671] : memref<10000xi32, #tpu.memory_space<vmem>> -> memref<80xi32, #tpu.memory_space<vmem>>
        %dma_start3A_673 = arith.constant 0 : i32
        %dma_start3A_674 = arith.constant 0 : i32
        %dma_start3A_675 = tpu.memref_slice %arg2[%dma_start3A_673, %dma_start3A_674] : memref<10000x128xf32, #tpu.memory_space<hbm>> -> memref<10000x128xf32, #tpu.memory_space<hbm>>
        tpu.enqueue_indirect_dma source(%dma_start3A_675 : memref<10000x128xf32, #tpu.memory_space<hbm>>) target(%arg11 : memref<80x128xf32, #tpu.memory_space<vmem>>) offsets(%dma_start3A_672 : memref<80xi32, #tpu.memory_space<vmem>>) semaphore(%arg26 : memref<!tpu.dma_semaphore, #tpu.memory_space<semaphore_mem>>)
        %mul3A_676 = arith.constant 80 : i32
        %mul3A_677 = arith.muli %add3A_669, %mul3A_676 : i32
        %dma_start3A_678 = tpu.memref_slice %arg7[%mul3A_677] : memref<10000xi32, #tpu.memory_space<vmem>> -> memref<80xi32, #tpu.memory_space<vmem>>
        %dma_start3A_679 = arith.constant 0 : i32
        %dma_start3A_680 = arith.constant 0 : i32
        %dma_start3A_681 = tpu.memref_slice %arg2[%dma_start3A_679, %dma_start3A_680] : memref<10000x128xf32, #tpu.memory_space<hbm>> -> memref<10000x128xf32, #tpu.memory_space<hbm>>
        tpu.enqueue_indirect_dma source(%dma_start3A_681 : memref<10000x128xf32, #tpu.memory_space<hbm>>) target(%arg16 : memref<80x128xf32, #tpu.memory_space<vmem>>) offsets(%dma_start3A_678 : memref<80xi32, #tpu.memory_space<vmem>>) semaphore(%arg26 : memref<!tpu.dma_semaphore, #tpu.memory_space<semaphore_mem>>)
      } else {
      }
      %mul3A_549 = arith.constant 5 : i32
      %mul3A_550 = arith.muli %scan3A_84, %mul3A_549 : i32
      %add3A_551 = arith.constant 4 : i32
      %add3A_552 = arith.addi %mul3A_550, %add3A_551 : i32
      %mul3A_553 = arith.constant 80 : i32
      %mul3A_554 = arith.muli %add3A_552, %mul3A_553 : i32
      %dma_wait3A_555 = tpu.memref_slice %arg6[%mul3A_554] : memref<10000xi32, #tpu.memory_space<vmem>> -> memref<80xi32, #tpu.memory_space<vmem>>
      %dma_wait3A_556 = arith.constant 0 : i32
      %dma_wait3A_557 = arith.constant 0 : i32
      %dma_wait3A_558 = tpu.memref_slice %arg2[%dma_wait3A_556, %dma_wait3A_557] : memref<10000x128xf32, #tpu.memory_space<hbm>> -> memref<10000x128xf32, #tpu.memory_space<hbm>>
      tpu.wait_indirect_dma semaphore(%arg27 : memref<!tpu.dma_semaphore, #tpu.memory_space<semaphore_mem>>) src(%dma_wait3A_558 : memref<10000x128xf32, #tpu.memory_space<hbm>>) dst(%arg12 : memref<80x128xf32, #tpu.memory_space<vmem>>)
      %mul3A_559 = arith.constant 80 : i32
      %mul3A_560 = arith.muli %add3A_552, %mul3A_559 : i32
      %dma_wait3A_561 = tpu.memref_slice %arg7[%mul3A_560] : memref<10000xi32, #tpu.memory_space<vmem>> -> memref<80xi32, #tpu.memory_space<vmem>>
      %dma_wait3A_562 = arith.constant 0 : i32
      %dma_wait3A_563 = arith.constant 0 : i32
      %dma_wait3A_564 = tpu.memref_slice %arg2[%dma_wait3A_562, %dma_wait3A_563] : memref<10000x128xf32, #tpu.memory_space<hbm>> -> memref<10000x128xf32, #tpu.memory_space<hbm>>
      tpu.wait_indirect_dma semaphore(%arg27 : memref<!tpu.dma_semaphore, #tpu.memory_space<semaphore_mem>>) src(%dma_wait3A_564 : memref<10000x128xf32, #tpu.memory_space<hbm>>) dst(%arg17 : memref<80x128xf32, #tpu.memory_space<vmem>>)
      %ge3A_565 = arith.constant 5 : i32
      %ge3A_566 = arith.cmpi sge, %add3A_552, %ge3A_565 : i32
      %convert_element_type3A_567 = arith.extui %ge3A_566 : i1 to i32
      %cond3A_568 = arith.constant 0 : i32
      %cond3A_569 = arith.cmpi ne, %convert_element_type3A_567, %cond3A_568 : i32
      scf.if %cond3A_569 {
        %sub3A = arith.constant 5 : i32
        %sub3A_668 = arith.subi %add3A_552, %sub3A : i32
        %mul3A_669 = arith.constant 80 : i32
        %mul3A_670 = arith.muli %sub3A_668, %mul3A_669 : i32
        %add3A_671 = arith.addi %mul3A_2, %mul3A_670 : i32
        %dma_wait3A_672 = tpu.memref_slice %arg5[%add3A_671] : memref<320000xf32, #tpu.memory_space<hbm>> -> memref<80xf32, #tpu.memory_space<hbm>>
        %dma_wait3A_673 = tpu.memref_slice %arg5[%add3A_671] : memref<320000xf32, #tpu.memory_space<hbm>> -> memref<80xf32, #tpu.memory_space<hbm>>
        tpu.wait_dma2 semaphore(%arg32 : memref<!tpu.dma_semaphore, #tpu.memory_space<semaphore_mem>>) src(%arg22 : memref<80xf32, #tpu.memory_space<vmem>>) dst(%dma_wait3A_673 : memref<80xf32, #tpu.memory_space<hbm>>)
      } else {
      }
      %iota3A_570 = tpu.iota {dimensions = array<i32: 0>} : vector<16xi32>
      %broadcast_in_dim3A_571 = arith.constant 0.000000e+00 : f32
      %broadcast_in_dim3A_572 = vector.broadcast %broadcast_in_dim3A_571 : f32 to vector<16xf32>
      %swap3A_573 = arith.constant 0 : index
      %swap3A_574 = tpu.vector_load %arg22[%swap3A_573] {strides = array<i32>} : memref<80xf32, #tpu.memory_space<vmem>>, vector<16xf32>,
      tpu.vector_store %arg22[%swap3A_573], %broadcast_in_dim3A_572 {strides = array<i32>} : memref<80xf32, #tpu.memory_space<vmem>>, vector<16xf32>,
      %swap3A_575 = arith.constant 16 : index
      %swap3A_576 = tpu.vector_load %arg22[%swap3A_575] {strides = array<i32>} : memref<80xf32, #tpu.memory_space<vmem>>, vector<16xf32>,
      tpu.vector_store %arg22[%swap3A_575], %broadcast_in_dim3A_572 {strides = array<i32>} : memref<80xf32, #tpu.memory_space<vmem>>, vector<16xf32>,
      %swap3A_577 = arith.constant 32 : index
      %swap3A_578 = tpu.vector_load %arg22[%swap3A_577] {strides = array<i32>} : memref<80xf32, #tpu.memory_space<vmem>>, vector<16xf32>,
      tpu.vector_store %arg22[%swap3A_577], %broadcast_in_dim3A_572 {strides = array<i32>} : memref<80xf32, #tpu.memory_space<vmem>>, vector<16xf32>,
      %swap3A_579 = arith.constant 48 : index
      %swap3A_580 = tpu.vector_load %arg22[%swap3A_579] {strides = array<i32>} : memref<80xf32, #tpu.memory_space<vmem>>, vector<16xf32>,
      tpu.vector_store %arg22[%swap3A_579], %broadcast_in_dim3A_572 {strides = array<i32>} : memref<80xf32, #tpu.memory_space<vmem>>, vector<16xf32>,
      %swap3A_581 = arith.constant 64 : index
      %swap3A_582 = tpu.vector_load %arg22[%swap3A_581] {strides = array<i32>} : memref<80xf32, #tpu.memory_space<vmem>>, vector<16xf32>,
      tpu.vector_store %arg22[%swap3A_581], %broadcast_in_dim3A_572 {strides = array<i32>} : memref<80xf32, #tpu.memory_space<vmem>>, vector<16xf32>,
      %parallel_loop3A_583 = arith.constant 0 : i32
      %parallel_loop3A_584 = arith.constant 80 : i32
      %parallel_loop3A_585 = arith.constant 1 : i32
      scf.for %parallel_loop3A_668 = %parallel_loop3A_583 to %parallel_loop3A_584 step %parallel_loop3A_585  : i32 {
        %parallel_loop3A_669 = arith.constant -16 : i32
        %parallel_loop3A_670 = arith.andi %parallel_loop3A_668, %parallel_loop3A_669 : i32
        %parallel_loop3A_671 = arith.constant 15 : i32
        %parallel_loop3A_672 = arith.andi %parallel_loop3A_668, %parallel_loop3A_671 : i32
        %parallel_loop3A_673 = vector.broadcast %parallel_loop3A_670 : i32 to vector<16xi32>
        %parallel_loop3A_674 = arith.addi %iota3A_570, %parallel_loop3A_673 : vector<16xi32>
        %parallel_loop3A_675 = vector.broadcast %parallel_loop3A_672 : i32 to vector<16xi32>
        %parallel_loop3A_676 = arith.addi %iota3A_570, %parallel_loop3A_675 : vector<16xi32>
        %parallel_loop3A_677 = arith.constant 15 : i32
        %parallel_loop3A_678 = vector.broadcast %parallel_loop3A_677 : i32 to vector<16xi32>
        %parallel_loop3A_679 = arith.andi %parallel_loop3A_676, %parallel_loop3A_678 : vector<16xi32>
        %parallel_loop3A_680 = arith.constant 0 : i32
        %parallel_loop3A_681 = vector.broadcast %parallel_loop3A_680 : i32 to vector<16xi32>
        %parallel_loop3A_682 = arith.addi %parallel_loop3A_679, %parallel_loop3A_681 : vector<16xi32>
        %parallel_loop3A_683 = arith.constant 16 : i32
        %parallel_loop3A_684 = vector.broadcast %parallel_loop3A_683 : i32 to vector<16xi32>
        %parallel_loop3A_685 = arith.addi %parallel_loop3A_679, %parallel_loop3A_684 : vector<16xi32>
        %parallel_loop3A_686 = tpu.vector_load_idx %arg12[%parallel_loop3A_674, %parallel_loop3A_682] : memref<80x128xf32, #tpu.memory_space<vmem>>[vector<16xi32>, vector<16xi32>], vector<16xf32>,
        %parallel_loop3A_687 = tpu.vector_load_idx %arg17[%parallel_loop3A_674, %parallel_loop3A_682] : memref<80x128xf32, #tpu.memory_space<vmem>>[vector<16xi32>, vector<16xi32>], vector<16xf32>,
        %parallel_loop3A_688 = tpu.vector_load_idx %arg12[%parallel_loop3A_674, %parallel_loop3A_685] : memref<80x128xf32, #tpu.memory_space<vmem>>[vector<16xi32>, vector<16xi32>], vector<16xf32>,
        %parallel_loop3A_689 = tpu.vector_load_idx %arg17[%parallel_loop3A_674, %parallel_loop3A_685] : memref<80x128xf32, #tpu.memory_space<vmem>>[vector<16xi32>, vector<16xi32>], vector<16xf32>,
        %parallel_loop3A_690 = arith.mulf %parallel_loop3A_686, %parallel_loop3A_687 : vector<16xf32>
        %parallel_loop3A_691 = arith.mulf %parallel_loop3A_688, %parallel_loop3A_689 : vector<16xf32>
        %parallel_loop3A_692 = arith.addf %parallel_loop3A_690, %parallel_loop3A_691 : vector<16xf32>
        %parallel_loop3A_693 = arith.constant 32 : i32
        %parallel_loop3A_694 = vector.broadcast %parallel_loop3A_693 : i32 to vector<16xi32>
        %parallel_loop3A_695 = arith.addi %parallel_loop3A_679, %parallel_loop3A_694 : vector<16xi32>
        %parallel_loop3A_696 = arith.constant 48 : i32
        %parallel_loop3A_697 = vector.broadcast %parallel_loop3A_696 : i32 to vector<16xi32>
        %parallel_loop3A_698 = arith.addi %parallel_loop3A_679, %parallel_loop3A_697 : vector<16xi32>
        %parallel_loop3A_699 = tpu.vector_load_idx %arg12[%parallel_loop3A_674, %parallel_loop3A_695] : memref<80x128xf32, #tpu.memory_space<vmem>>[vector<16xi32>, vector<16xi32>], vector<16xf32>,
        %parallel_loop3A_700 = tpu.vector_load_idx %arg17[%parallel_loop3A_674, %parallel_loop3A_695] : memref<80x128xf32, #tpu.memory_space<vmem>>[vector<16xi32>, vector<16xi32>], vector<16xf32>,
        %parallel_loop3A_701 = tpu.vector_load_idx %arg12[%parallel_loop3A_674, %parallel_loop3A_698] : memref<80x128xf32, #tpu.memory_space<vmem>>[vector<16xi32>, vector<16xi32>], vector<16xf32>,
        %parallel_loop3A_702 = tpu.vector_load_idx %arg17[%parallel_loop3A_674, %parallel_loop3A_698] : memref<80x128xf32, #tpu.memory_space<vmem>>[vector<16xi32>, vector<16xi32>], vector<16xf32>,
        %parallel_loop3A_703 = arith.mulf %parallel_loop3A_699, %parallel_loop3A_700 : vector<16xf32>
        %parallel_loop3A_704 = arith.mulf %parallel_loop3A_701, %parallel_loop3A_702 : vector<16xf32>
        %parallel_loop3A_705 = arith.addf %parallel_loop3A_703, %parallel_loop3A_704 : vector<16xf32>
        %parallel_loop3A_706 = arith.constant 64 : i32
        %parallel_loop3A_707 = vector.broadcast %parallel_loop3A_706 : i32 to vector<16xi32>
        %parallel_loop3A_708 = arith.addi %parallel_loop3A_679, %parallel_loop3A_707 : vector<16xi32>
        %parallel_loop3A_709 = arith.constant 80 : i32
        %parallel_loop3A_710 = vector.broadcast %parallel_loop3A_709 : i32 to vector<16xi32>
        %parallel_loop3A_711 = arith.addi %parallel_loop3A_679, %parallel_loop3A_710 : vector<16xi32>
        %parallel_loop3A_712 = tpu.vector_load_idx %arg12[%parallel_loop3A_674, %parallel_loop3A_708] : memref<80x128xf32, #tpu.memory_space<vmem>>[vector<16xi32>, vector<16xi32>], vector<16xf32>,
        %parallel_loop3A_713 = tpu.vector_load_idx %arg17[%parallel_loop3A_674, %parallel_loop3A_708] : memref<80x128xf32, #tpu.memory_space<vmem>>[vector<16xi32>, vector<16xi32>], vector<16xf32>,
        %parallel_loop3A_714 = tpu.vector_load_idx %arg12[%parallel_loop3A_674, %parallel_loop3A_711] : memref<80x128xf32, #tpu.memory_space<vmem>>[vector<16xi32>, vector<16xi32>], vector<16xf32>,
        %parallel_loop3A_715 = tpu.vector_load_idx %arg17[%parallel_loop3A_674, %parallel_loop3A_711] : memref<80x128xf32, #tpu.memory_space<vmem>>[vector<16xi32>, vector<16xi32>], vector<16xf32>,
        %parallel_loop3A_716 = arith.mulf %parallel_loop3A_712, %parallel_loop3A_713 : vector<16xf32>
        %parallel_loop3A_717 = arith.mulf %parallel_loop3A_714, %parallel_loop3A_715 : vector<16xf32>
        %parallel_loop3A_718 = arith.addf %parallel_loop3A_716, %parallel_loop3A_717 : vector<16xf32>
        %parallel_loop3A_719 = arith.constant 96 : i32
        %parallel_loop3A_720 = vector.broadcast %parallel_loop3A_719 : i32 to vector<16xi32>
        %parallel_loop3A_721 = arith.addi %parallel_loop3A_679, %parallel_loop3A_720 : vector<16xi32>
        %parallel_loop3A_722 = arith.constant 112 : i32
        %parallel_loop3A_723 = vector.broadcast %parallel_loop3A_722 : i32 to vector<16xi32>
        %parallel_loop3A_724 = arith.addi %parallel_loop3A_679, %parallel_loop3A_723 : vector<16xi32>
        %parallel_loop3A_725 = tpu.vector_load_idx %arg12[%parallel_loop3A_674, %parallel_loop3A_721] : memref<80x128xf32, #tpu.memory_space<vmem>>[vector<16xi32>, vector<16xi32>], vector<16xf32>,
        %parallel_loop3A_726 = tpu.vector_load_idx %arg17[%parallel_loop3A_674, %parallel_loop3A_721] : memref<80x128xf32, #tpu.memory_space<vmem>>[vector<16xi32>, vector<16xi32>], vector<16xf32>,
        %parallel_loop3A_727 = tpu.vector_load_idx %arg12[%parallel_loop3A_674, %parallel_loop3A_724] : memref<80x128xf32, #tpu.memory_space<vmem>>[vector<16xi32>, vector<16xi32>], vector<16xf32>,
        %parallel_loop3A_728 = tpu.vector_load_idx %arg17[%parallel_loop3A_674, %parallel_loop3A_724] : memref<80x128xf32, #tpu.memory_space<vmem>>[vector<16xi32>, vector<16xi32>], vector<16xf32>,
        %parallel_loop3A_729 = arith.mulf %parallel_loop3A_725, %parallel_loop3A_726 : vector<16xf32>
        %parallel_loop3A_730 = arith.mulf %parallel_loop3A_727, %parallel_loop3A_728 : vector<16xf32>
        %parallel_loop3A_731 = arith.addf %parallel_loop3A_729, %parallel_loop3A_730 : vector<16xf32>
        %parallel_loop3A_732 = arith.addf %parallel_loop3A_692, %parallel_loop3A_705 : vector<16xf32>
        %parallel_loop3A_733 = arith.addf %parallel_loop3A_718, %parallel_loop3A_731 : vector<16xf32>
        %parallel_loop3A_734 = arith.addf %parallel_loop3A_732, %parallel_loop3A_733 : vector<16xf32>
        tpu.vector_store_idx %arg22[%parallel_loop3A_674], %parallel_loop3A_734 {add = true} : memref<80xf32, #tpu.memory_space<vmem>>[vector<16xi32>], vector<16xf32>,
      } {sc.loop_unroll_factor = 1 : i64, sc.parallel_access}
      %get3A_586 = arith.constant 0 : index
      %get3A_587 = tpu.vector_load %arg22[%get3A_586] {strides = array<i32>} : memref<80xf32, #tpu.memory_space<vmem>>, vector<16xf32>,
      %neg3A_588 = arith.constant 0.000000e+00 : f32
      %neg3A_589 = vector.broadcast %neg3A_588 : f32 to vector<16xf32>
      %neg3A_590 = arith.subf %neg3A_589, %get3A_587 : vector<16xf32>
      %exp3A_591 = math.exp %neg3A_590 : vector<16xf32>
      %add3A_592 = arith.constant 1.000000e+00 : f32
      %add3A_593 = vector.broadcast %add3A_592 : f32 to vector<16xf32>
      %add3A_594 = arith.addf %add3A_593, %exp3A_591 : vector<16xf32>
      %div3A_595 = arith.constant 1.000000e+00 : f32
      %div3A_596 = vector.broadcast %div3A_595 : f32 to vector<16xf32>
      %div3A_597 = arith.divf %div3A_596, %add3A_594 : vector<16xf32>
      %swap3A_598 = arith.constant 0 : index
      %swap3A_599 = tpu.vector_load %arg22[%swap3A_598] {strides = array<i32>} : memref<80xf32, #tpu.memory_space<vmem>>, vector<16xf32>,
      tpu.vector_store %arg22[%swap3A_598], %div3A_597 {strides = array<i32>} : memref<80xf32, #tpu.memory_space<vmem>>, vector<16xf32>,
      %get3A_600 = arith.constant 16 : index
      %get3A_601 = tpu.vector_load %arg22[%get3A_600] {strides = array<i32>} : memref<80xf32, #tpu.memory_space<vmem>>, vector<16xf32>,
      %neg3A_602 = arith.constant 0.000000e+00 : f32
      %neg3A_603 = vector.broadcast %neg3A_602 : f32 to vector<16xf32>
      %neg3A_604 = arith.subf %neg3A_603, %get3A_601 : vector<16xf32>
      %exp3A_605 = math.exp %neg3A_604 : vector<16xf32>
      %add3A_606 = arith.constant 1.000000e+00 : f32
      %add3A_607 = vector.broadcast %add3A_606 : f32 to vector<16xf32>
      %add3A_608 = arith.addf %add3A_607, %exp3A_605 : vector<16xf32>
      %div3A_609 = arith.constant 1.000000e+00 : f32
      %div3A_610 = vector.broadcast %div3A_609 : f32 to vector<16xf32>
      %div3A_611 = arith.divf %div3A_610, %add3A_608 : vector<16xf32>
      %swap3A_612 = arith.constant 16 : index
      %swap3A_613 = tpu.vector_load %arg22[%swap3A_612] {strides = array<i32>} : memref<80xf32, #tpu.memory_space<vmem>>, vector<16xf32>,
      tpu.vector_store %arg22[%swap3A_612], %div3A_611 {strides = array<i32>} : memref<80xf32, #tpu.memory_space<vmem>>, vector<16xf32>,
      %get3A_614 = arith.constant 32 : index
      %get3A_615 = tpu.vector_load %arg22[%get3A_614] {strides = array<i32>} : memref<80xf32, #tpu.memory_space<vmem>>, vector<16xf32>,
      %neg3A_616 = arith.constant 0.000000e+00 : f32
      %neg3A_617 = vector.broadcast %neg3A_616 : f32 to vector<16xf32>
      %neg3A_618 = arith.subf %neg3A_617, %get3A_615 : vector<16xf32>
      %exp3A_619 = math.exp %neg3A_618 : vector<16xf32>
      %add3A_620 = arith.constant 1.000000e+00 : f32
      %add3A_621 = vector.broadcast %add3A_620 : f32 to vector<16xf32>
      %add3A_622 = arith.addf %add3A_621, %exp3A_619 : vector<16xf32>
      %div3A_623 = arith.constant 1.000000e+00 : f32
      %div3A_624 = vector.broadcast %div3A_623 : f32 to vector<16xf32>
      %div3A_625 = arith.divf %div3A_624, %add3A_622 : vector<16xf32>
      %swap3A_626 = arith.constant 32 : index
      %swap3A_627 = tpu.vector_load %arg22[%swap3A_626] {strides = array<i32>} : memref<80xf32, #tpu.memory_space<vmem>>, vector<16xf32>,
      tpu.vector_store %arg22[%swap3A_626], %div3A_625 {strides = array<i32>} : memref<80xf32, #tpu.memory_space<vmem>>, vector<16xf32>,
      %get3A_628 = arith.constant 48 : index
      %get3A_629 = tpu.vector_load %arg22[%get3A_628] {strides = array<i32>} : memref<80xf32, #tpu.memory_space<vmem>>, vector<16xf32>,
      %neg3A_630 = arith.constant 0.000000e+00 : f32
      %neg3A_631 = vector.broadcast %neg3A_630 : f32 to vector<16xf32>
      %neg3A_632 = arith.subf %neg3A_631, %get3A_629 : vector<16xf32>
      %exp3A_633 = math.exp %neg3A_632 : vector<16xf32>
      %add3A_634 = arith.constant 1.000000e+00 : f32
      %add3A_635 = vector.broadcast %add3A_634 : f32 to vector<16xf32>
      %add3A_636 = arith.addf %add3A_635, %exp3A_633 : vector<16xf32>
      %div3A_637 = arith.constant 1.000000e+00 : f32
      %div3A_638 = vector.broadcast %div3A_637 : f32 to vector<16xf32>
      %div3A_639 = arith.divf %div3A_638, %add3A_636 : vector<16xf32>
      %swap3A_640 = arith.constant 48 : index
      %swap3A_641 = tpu.vector_load %arg22[%swap3A_640] {strides = array<i32>} : memref<80xf32, #tpu.memory_space<vmem>>, vector<16xf32>,
      tpu.vector_store %arg22[%swap3A_640], %div3A_639 {strides = array<i32>} : memref<80xf32, #tpu.memory_space<vmem>>, vector<16xf32>,
      %get3A_642 = arith.constant 64 : index
      %get3A_643 = tpu.vector_load %arg22[%get3A_642] {strides = array<i32>} : memref<80xf32, #tpu.memory_space<vmem>>, vector<16xf32>,
      %neg3A_644 = arith.constant 0.000000e+00 : f32
      %neg3A_645 = vector.broadcast %neg3A_644 : f32 to vector<16xf32>
      %neg3A_646 = arith.subf %neg3A_645, %get3A_643 : vector<16xf32>
      %exp3A_647 = math.exp %neg3A_646 : vector<16xf32>
      %add3A_648 = arith.constant 1.000000e+00 : f32
      %add3A_649 = vector.broadcast %add3A_648 : f32 to vector<16xf32>
      %add3A_650 = arith.addf %add3A_649, %exp3A_647 : vector<16xf32>
      %div3A_651 = arith.constant 1.000000e+00 : f32
      %div3A_652 = vector.broadcast %div3A_651 : f32 to vector<16xf32>
      %div3A_653 = arith.divf %div3A_652, %add3A_650 : vector<16xf32>
      %swap3A_654 = arith.constant 64 : index
      %swap3A_655 = tpu.vector_load %arg22[%swap3A_654] {strides = array<i32>} : memref<80xf32, #tpu.memory_space<vmem>>, vector<16xf32>,
      tpu.vector_store %arg22[%swap3A_654], %div3A_653 {strides = array<i32>} : memref<80xf32, #tpu.memory_space<vmem>>, vector<16xf32>,
      %mul3A_656 = arith.constant 80 : i32
      %mul3A_657 = arith.muli %add3A_552, %mul3A_656 : i32
      %add3A_658 = arith.addi %mul3A_2, %mul3A_657 : i32
      %dma_start3A_659 = tpu.memref_slice %arg5[%add3A_658] : memref<320000xf32, #tpu.memory_space<hbm>> -> memref<80xf32, #tpu.memory_space<hbm>>
      %dma_start3A_660 = tpu.memref_slice %arg5[%add3A_658] : memref<320000xf32, #tpu.memory_space<hbm>> -> memref<80xf32, #tpu.memory_space<hbm>>
      tpu.enqueue_dma source(%arg22 : memref<80xf32, #tpu.memory_space<vmem>>) target(%dma_start3A_660 : memref<80xf32, #tpu.memory_space<hbm>>) target_semaphore(%arg32 : memref<!tpu.dma_semaphore, #tpu.memory_space<semaphore_mem>>)
      %add3A_661 = arith.constant 5 : i32
      %add3A_662 = arith.addi %add3A_552, %add3A_661 : i32
      %lt3A_663 = arith.constant 125 : i32
      %lt3A_664 = arith.cmpi slt, %add3A_662, %lt3A_663 : i32
      %convert_element_type3A_665 = arith.extui %lt3A_664 : i1 to i32
      %cond3A_666 = arith.constant 0 : i32
      %cond3A_667 = arith.cmpi ne, %convert_element_type3A_665, %cond3A_666 : i32
      scf.if %cond3A_667 {
        %add3A_668 = arith.constant 5 : i32
        %add3A_669 = arith.addi %add3A_552, %add3A_668 : i32
        %mul3A_670 = arith.constant 80 : i32
        %mul3A_671 = arith.muli %add3A_669, %mul3A_670 : i32
        %dma_start3A_672 = tpu.memref_slice %arg6[%mul3A_671] : memref<10000xi32, #tpu.memory_space<vmem>> -> memref<80xi32, #tpu.memory_space<vmem>>
        %dma_start3A_673 = arith.constant 0 : i32
        %dma_start3A_674 = arith.constant 0 : i32
        %dma_start3A_675 = tpu.memref_slice %arg2[%dma_start3A_673, %dma_start3A_674] : memref<10000x128xf32, #tpu.memory_space<hbm>> -> memref<10000x128xf32, #tpu.memory_space<hbm>>
        tpu.enqueue_indirect_dma source(%dma_start3A_675 : memref<10000x128xf32, #tpu.memory_space<hbm>>) target(%arg12 : memref<80x128xf32, #tpu.memory_space<vmem>>) offsets(%dma_start3A_672 : memref<80xi32, #tpu.memory_space<vmem>>) semaphore(%arg27 : memref<!tpu.dma_semaphore, #tpu.memory_space<semaphore_mem>>)
        %mul3A_676 = arith.constant 80 : i32
        %mul3A_677 = arith.muli %add3A_669, %mul3A_676 : i32
        %dma_start3A_678 = tpu.memref_slice %arg7[%mul3A_677] : memref<10000xi32, #tpu.memory_space<vmem>> -> memref<80xi32, #tpu.memory_space<vmem>>
        %dma_start3A_679 = arith.constant 0 : i32
        %dma_start3A_680 = arith.constant 0 : i32
        %dma_start3A_681 = tpu.memref_slice %arg2[%dma_start3A_679, %dma_start3A_680] : memref<10000x128xf32, #tpu.memory_space<hbm>> -> memref<10000x128xf32, #tpu.memory_space<hbm>>
        tpu.enqueue_indirect_dma source(%dma_start3A_681 : memref<10000x128xf32, #tpu.memory_space<hbm>>) target(%arg17 : memref<80x128xf32, #tpu.memory_space<vmem>>) offsets(%dma_start3A_678 : memref<80xi32, #tpu.memory_space<vmem>>) semaphore(%arg27 : memref<!tpu.dma_semaphore, #tpu.memory_space<semaphore_mem>>)
      } else {
      }
    }
    %scan3A_63 = arith.constant 25 : i32
    %add3A_64 = arith.constant 9600 : i32
    %add3A_65 = arith.addi %mul3A_2, %add3A_64 : i32
    %dma_wait3A_66 = tpu.memref_slice %arg5[%add3A_65] : memref<320000xf32, #tpu.memory_space<hbm>> -> memref<80xf32, #tpu.memory_space<hbm>>
    %dma_wait3A_67 = tpu.memref_slice %arg5[%add3A_65] : memref<320000xf32, #tpu.memory_space<hbm>> -> memref<80xf32, #tpu.memory_space<hbm>>
    tpu.wait_dma2 semaphore(%arg28 : memref<!tpu.dma_semaphore, #tpu.memory_space<semaphore_mem>>) src(%arg18 : memref<80xf32, #tpu.memory_space<vmem>>) dst(%dma_wait3A_67 : memref<80xf32, #tpu.memory_space<hbm>>)
    %add3A_68 = arith.constant 9680 : i32
    %add3A_69 = arith.addi %mul3A_2, %add3A_68 : i32
    %dma_wait3A_70 = tpu.memref_slice %arg5[%add3A_69] : memref<320000xf32, #tpu.memory_space<hbm>> -> memref<80xf32, #tpu.memory_space<hbm>>
    %dma_wait3A_71 = tpu.memref_slice %arg5[%add3A_69] : memref<320000xf32, #tpu.memory_space<hbm>> -> memref<80xf32, #tpu.memory_space<hbm>>
    tpu.wait_dma2 semaphore(%arg29 : memref<!tpu.dma_semaphore, #tpu.memory_space<semaphore_mem>>) src(%arg19 : memref<80xf32, #tpu.memory_space<vmem>>) dst(%dma_wait3A_71 : memref<80xf32, #tpu.memory_space<hbm>>)
    %add3A_72 = arith.constant 9760 : i32
    %add3A_73 = arith.addi %mul3A_2, %add3A_72 : i32
    %dma_wait3A_74 = tpu.memref_slice %arg5[%add3A_73] : memref<320000xf32, #tpu.memory_space<hbm>> -> memref<80xf32, #tpu.memory_space<hbm>>
    %dma_wait3A_75 = tpu.memref_slice %arg5[%add3A_73] : memref<320000xf32, #tpu.memory_space<hbm>> -> memref<80xf32, #tpu.memory_space<hbm>>
    tpu.wait_dma2 semaphore(%arg30 : memref<!tpu.dma_semaphore, #tpu.memory_space<semaphore_mem>>) src(%arg20 : memref<80xf32, #tpu.memory_space<vmem>>) dst(%dma_wait3A_75 : memref<80xf32, #tpu.memory_space<hbm>>)
    %add3A_76 = arith.constant 9840 : i32
    %add3A_77 = arith.addi %mul3A_2, %add3A_76 : i32
    %dma_wait3A_78 = tpu.memref_slice %arg5[%add3A_77] : memref<320000xf32, #tpu.memory_space<hbm>> -> memref<80xf32, #tpu.memory_space<hbm>>
    %dma_wait3A_79 = tpu.memref_slice %arg5[%add3A_77] : memref<320000xf32, #tpu.memory_space<hbm>> -> memref<80xf32, #tpu.memory_space<hbm>>
    tpu.wait_dma2 semaphore(%arg31 : memref<!tpu.dma_semaphore, #tpu.memory_space<semaphore_mem>>) src(%arg21 : memref<80xf32, #tpu.memory_space<vmem>>) dst(%dma_wait3A_79 : memref<80xf32, #tpu.memory_space<hbm>>)
    %add3A_80 = arith.constant 9920 : i32
    %add3A_81 = arith.addi %mul3A_2, %add3A_80 : i32
    %dma_wait3A_82 = tpu.memref_slice %arg5[%add3A_81] : memref<320000xf32, #tpu.memory_space<hbm>> -> memref<80xf32, #tpu.memory_space<hbm>>
    %dma_wait3A_83 = tpu.memref_slice %arg5[%add3A_81] : memref<320000xf32, #tpu.memory_space<hbm>> -> memref<80xf32, #tpu.memory_space<hbm>>
    tpu.wait_dma2 semaphore(%arg32 : memref<!tpu.dma_semaphore, #tpu.memory_space<semaphore_mem>>) src(%arg22 : memref<80xf32, #tpu.memory_space<vmem>>) dst(%dma_wait3A_83 : memref<80xf32, #tpu.memory_space<hbm>>)
    return
  }
}

</mosaic_0001>

<sc_bundles>
// kernel: kernel.3.cloned.1.call-start
scs
__scs_entry_jumppad:
0x0: {  	(pc) =	sbr.rel $0x88, $3  }
0x1: {  	(tag) =	ssettag $0x0;
	lr =	simm.s32 $0x1  }
0x2: {  	[smem:$0x3F9F] =	sst lr;
	_ =	strace $0xD0000000  }
0x3: {  	_ = 	snop  }
0x4: {  	_ = 	snop  }
0x5: {  	_ = 	snop  }
0x6: {  	_ = 	snop  }
0x7: {  	_ = 	snop  }
__scs_overlays_trampoline_lowered:
0x8: {  	[smem:$0x3FAE] =	sst s0  }
0x9: {  	[smem:$0x3FAF] =	sst s1  }
0xa: {  	[smem:$0x3FB0] =	sst s2  }
0xb: {  	[smem:$0x3FB1] =	sst s3  }
0xc: {  	[smem:$0x3FB2] =	sst s4  }
0xd: {  	[smem:$0x3FB3] =	sst s5  }
0xe: {  	[smem:$0x3FB4] =	sst s6  }
0xf: {  	[smem:$0x3FB5] =	sst s7  }
0x10: {  	[smem:$0x3FB6] =	sst s8  }
0x11: {  	[smem:$0x3FB7] =	sst s9;
	s0 =	simm.s32 @!p0 $0x0  }
0x12: {  	s1 =	sld [smem:$0x3F9D];
	s0 =	simm.s32 @p0 $0x1  }
0x13: {  	[smem:$0x3FB8] =	sst s0;
	s0 =	simm.s32 @!p1 $0x0  }
0x14: {  	s2 =	sld [smem:$0x3F9C];
	s0 =	simm.s32 @p1 $0x1  }
0x15: {  	[smem:$0x3FB9] =	sst s0;
	s0 =	simm.s32 @!p2 $0x0  }
0x16: {  	s3 =	sld [smem:$0x3FDB];
	s0 =	simm.s32 @p2 $0x1  }
0x17: {  	s4 =	simm.s32 $0x1BF5;
	[smem:$0x3FBB] =	sst s0  }
0x18: {  	s0 =	sld [smem:$0x3F9E];
	_ =	swait.ge [sflag:s4], $0x0  }
0x19: {  	s7 =	sld [smem:$0x3F9F]  }
0x1a: {  	s8 =	sadd.s32 $0xFFFFE003, lr  }
0x1b: {  	s9 =	sadd.s32 $0xFFFFFEF7, lr;
	s5 =	simm.s32 $0xFFFFFFFF;
	p2 =	slt.u32 s8, $0xFFFFF086  }
0x1c: {  	p1 =	slt.u32 s9, $0xF7A;
	s5 =	simm.s32 @!p2 $0x0  }
0x1d: {  	s5 =	simm.s32 @p1 $0x1;
	p0 =	seq.s32 s7, s2  }
0x1e: {  	s7 =	smul.u32 @!p0 $0xF7A, s2;
	p2 =	seq.s32 @!p0 s5, $0x0  }
0x1f: {  	s9 =	smul.u32 $0xF7A, s1;
	s8 =	simm.s32 @!p0 $0x1BF5;
	p2 =	por !p2, p0  }
0x20: {  	[sflag:s8] =	ssyncset.s32 @!p0 $0xFFFFF086;
	s6 =	sadd.s32 @!p0 s3, s7;
	s7 =	simm.s32 @!p0 $0x108  }
0x21: {  	s3 =	sadd.s32 s3, s9;
	s6 =	sadd.s32 @!p0 $0x88, s6;
	s7 =	simm.s32 @p2 $0x1082  }
0x22: {  	[simem:s7], [sflag:s8] =	dma.local @!p0 [hbm:s6], $0xF7A  }
0x23: {  	s9 =	sor.u32 $0xD0000000, s2;
	s6 =	simm.s32 $0x108;
	_ =	swait.ge @!p0 [sflag:s8], $0x0  }
0x24: {  	s3 =	sadd.s32 $0x88, s3;
	s6 =	simm.s32 @!p1 $0x1082;
	[sflag:s4] =	ssyncset.s32 $0xFFFFF086  }
0x25: {  	[simem:s6], [sflag:s4] =	dma.local [hbm:s3], $0xF7A  }
0x26: {  	[smem:$0x3F9F] =	sst s1;
	(tag) =	ssettag s2;
	_ =	strace s9  }
0x27: {  	s1 =	sld [smem:$0x3FAF]  }
0x28: {  	s2 =	sld [smem:$0x3FB0]  }
0x29: {  	s4 =	sld [smem:$0x3FB2]  }
0x2a: {  	p0 =	seq.s32 s5, $0x0;
	s5 =	sld [smem:$0x3FB3]  }
0x2b: {  	s6 =	sld [smem:$0x3FB4]  }
0x2c: {  	s7 =	sld [smem:$0x3FB5]  }
0x2d: {  	s3 =	simm.s32 $0x108;
	s8 =	sld [smem:$0x3FB6]  }
0x2e: {  	s3 =	simm.s32 @!p0 $0x1082;
	s9 =	sld [smem:$0x3FB7]  }
0x2f: {  	lr =	sadd.s32 s0, s3;
	s0 =	sld [smem:$0x3FAE]  }
0x30: {  	s3 =	sld [smem:$0x3FB1]  }
0x31: {  	[smem:$0x3FBA] =	sst s10  }
0x32: {  	s10 =	sld [smem:$0x3FB8];
	_ =	sdelay $0x3  }
0x33: {  	p0 =	seq.s32 s10, $0x1;
	s10 =	sld [smem:$0x3FBA];
	_ =	sdelay $0x3  }
0x34: {  	[smem:$0x3FBA] =	sst s10  }
0x35: {  	s10 =	sld [smem:$0x3FB9];
	_ =	sdelay $0x3  }
0x36: {  	p1 =	seq.s32 s10, $0x1;
	s10 =	sld [smem:$0x3FBA];
	_ =	sdelay $0x3  }
0x37: {  	[smem:$0x3FBA] =	sst s10  }
0x38: {  	s10 =	sld [smem:$0x3FBB]  }
0x39: {  	_ = 	snop;
	(pc) =	sbr.ind lr, $3  }
0x3a: {  	_ = 	snop  }
0x3b: {  	_ = 	snop  }
0x3c: {  	p2 =	seq.s32 s10, $0x1;
	s10 =	sld [smem:$0x3FBA]  }
0x3d: {  	_ =	shalt  }
0x3e: {  	_ =	shalt  }
0x3f: {  	_ =	shalt  }
0x40: {  	_ =	shalt  }
0x41: {  	_ =	shalt  }
0x42: {  	_ =	shalt  }
0x43: {  	_ =	shalt  }
0x44: {  	_ =	shalt  }
0x45: {  	_ =	shalt  }
0x46: {  	_ =	shalt  }
0x47: {  	_ =	shalt  }
0x48: {  	_ =	shalt  }
0x49: {  	_ =	shalt  }
0x4a: {  	_ =	shalt  }
0x4b: {  	_ =	shalt  }
0x4c: {  	_ =	shalt  }
0x4d: {  	_ =	shalt  }
0x4e: {  	_ =	shalt  }
0x4f: {  	_ =	shalt  }
0x50: {  	_ =	shalt  }
0x51: {  	_ =	shalt  }
0x52: {  	_ =	shalt  }
0x53: {  	_ =	shalt  }
0x54: {  	_ =	shalt  }
0x55: {  	_ =	shalt  }
0x56: {  	_ =	shalt  }
0x57: {  	_ =	shalt  }
0x58: {  	_ =	shalt  }
0x59: {  	_ =	shalt  }
0x5a: {  	_ =	shalt  }
0x5b: {  	_ =	shalt  }
0x5c: {  	_ =	shalt  }
0x5d: {  	_ =	shalt  }
0x5e: {  	_ =	shalt  }
0x5f: {  	_ =	shalt  }
0x60: {  	_ =	shalt  }
0x61: {  	_ =	shalt  }
0x62: {  	_ =	shalt  }
0x63: {  	_ =	shalt  }
0x64: {  	_ =	shalt  }
0x65: {  	_ =	shalt  }
0x66: {  	_ =	shalt  }
0x67: {  	_ =	shalt  }
0x68: {  	_ =	shalt  }
0x69: {  	_ =	shalt  }
0x6a: {  	_ =	shalt  }
0x6b: {  	_ =	shalt  }
0x6c: {  	_ =	shalt  }
0x6d: {  	_ =	shalt  }
0x6e: {  	_ =	shalt  }
0x6f: {  	_ =	shalt  }
0x70: {  	_ =	shalt  }
0x71: {  	_ =	shalt  }
0x72: {  	_ =	shalt  }
0x73: {  	_ =	shalt  }
0x74: {  	_ =	shalt  }
0x75: {  	_ =	shalt  }
0x76: {  	_ =	shalt  }
0x77: {  	_ =	shalt  }
0x78: {  	_ =	shalt  }
0x79: {  	_ =	shalt  }
0x7a: {  	_ =	shalt  }
0x7b: {  	_ =	shalt  }
0x7c: {  	_ =	shalt  }
0x7d: {  	_ =	shalt  }
0x7e: {  	_ =	shalt  }
0x7f: {  	_ =	shalt  }
0x80: {  	_ =	shalt  }
0x81: {  	_ =	shalt  }
0x82: {  	_ =	shalt  }
0x83: {  	_ =	shalt  }
0x84: {  	_ =	shalt  }
0x85: {  	_ =	shalt  }
0x86: {  	_ =	shalt  }
0x87: {  	_ =	shalt  }
.Lfunc_end0:
.L_simem_size_0:
called_computation_lowered:
.L_overlay_start_0:
0x88: {  	s2 =	sld [smem:$0x3FD9]  }
0x89: {  	s3 =	sld [smem:$0x3FFE];
	_ =	sdelay $0x1  }
0x8a: {  	s1 =	srdreg.scid  }
0x8b: {  	s0 =	sand.u32 $0x1, s1  }
0x8c: {  	s17 =	sshll.u32 s0, $0xA;
	s2 =	sadd.s32 s3, s2  }
0x8d: {  	s2 =	sadd.s32 s2, s17  }
0x8e: {  	[smem:$0x3FC6] =	sst s2  }
0x8f: {  	_ = 	snop  }
0x90: {  	s2 =	sld [smem:$0x3FC9]  }
0x91: {  	s18 =	sld [smem:$0x3FD0];
	(tm) =	ssettm $0x1  }
0x92: {  	s4 =	sld [smem:$0x3FFB];
	_ =	sdelay $0x3  }
0x93: {  	_ =	strace s4  }
0x94: {  	s4 =	sld [smem:$0x3FFC];
	_ =	sdelay $0x3  }
0x95: {  	_ =	strace s4  }
0x96: {  	s4 =	sld [smem:$0x3FFD];
	_ =	sdelay $0x3  }
0x97: {  	_ =	strace s4  }
0x98: {  	_ =	strace $0x8FFFFFFF  }
0x99: {  	s19 =	sld [smem:$0x3FDB];
	_ =	sdelay $0x1  }
0x9a: {  	s5 =	simm.s32 $_scs_section_size  }
0x9b: {  	s6 =	simm.s32 $_size__tile_overlayer_lowered;
	s7 =	simm.s32 $_tile_overlayer_lowered  }
0x9c: {  	s22 =	simm.s32 $0x1BFF;
	s21 =	sshll.u32 s7, $0x1;
	s4 =	sadd.s32 s5, s19  }
0x9d: {  	s8 =	simm.s32 $0x0;
	s20 =	sshll.u32 s6, $0x1;
	s6 =	sadd.s32 s21, s4  }
0x9e: {  	[timem:s8], [sflag:s22] =	dma.local [hbm:s6], s20  }
0x9f: {  	_ =	swait.ge [sflag:s22], s20  }
0xa0: {  	s5 =	ssub.s32 $0x0, s20;
	[sflag:s22] =	ssyncset.done $0x0  }
0xa1: {  	[sflag:s22] =	ssyncadd.s32 s5;
	_ =	sdelay $0x1  }
0xa2: {  	s23 =	simm.s32 $0x1B8B  }
0xa3: {  	_ =	swait.ge [sflag:s23], $0x1  }
0xa4: {  	[sflag:s23] =	ssyncset.done $0x0  }
0xa5: {  	s25 =	simm.s32 $0x1B8E;
	s24 =	sld [smem:$0x3FFE];
	[sflag:s23] =	ssyncadd.s32 $0xFFFFFFFF  }
0xa6: {  	s26 =	simm.s32 $execute0_lowered;
	[smem:$0x3FD2] =	sst s25  }
0xa7: {  	s6 =	sshll.u32 s26, $0x1;
	_ =	strace $0x80000046;
	[dreg:$0x1] =	wrdreg $0xFFFFFFFF  }
0xa8: {  	s28 =	simm.s32 $_size_execute0_lowered;
	s4 =	sadd.s32 s4, s6;
	[dreg:$0x0] =	wrdreg $0x0  }
0xa9: {  	s6 =	sshll.u32 s28, $0x1;
	[dreg:$0x2] =	wrdreg s4  }
0xaa: {  	[dreg:$0x3] =	wrdreg s6  }
0xab: {  	[dreg:$0x4] =	wrdreg $0xC0  }
0xac: {  	_ =	task [dreg:s8], $0x5FFFF  }
0xad: {  	[dreg:$0x1] =	wrdreg $0xFFFFFFFF  }
0xae: {  	[dreg:$0x0] =	wrdreg $0x60  }
0xaf: {  	[dreg:$0x2] =	wrdreg s2  }
0xb0: {  	[dreg:$0x3] =	wrdreg s24  }
0xb1: {  	[dreg:$0x4] =	wrdreg s18  }
0xb2: {  	[dreg:$0x5] =	wrdreg $0x9  }
0xb3: {  	_ =	task.clear_ibuf [dreg:s8], $0x6FFFF;
	_ =	strace $0x90000046  }
0xb4: {  	s29 =	simm.s32 $0x9;
	_ =	strace $0x80000048  }
0xb5: {  	_ =	swait.ge [sflag:s29], $0x1  }
0xb6: {  	[sflag:s29] =	ssyncadd.s32 $0xFFFFFFFF  }
0xb7: {  	_ =	strace $0x90000048  }
0xb8: {  	_ =	sfence  }
0xb9: {  	s30 =	sld [smem:$0x0];
	_ =	sdelay $0x2  }
0xba: {  	s31 =	sshll.u32 s1, $0xD;
	s1 =	sshrl.u32 s1, $0x2  }
0xbb: {  	s3 =	sand.u32 $0x4000, s31;
	s1 =	sadd.s32 s1, s30  }
0xbc: {  	s0 =	sor.u32 s3, s0;
	s1 =	sshll.u32 s1, $0x11  }
0xbd: {  	s0 =	sor.u32 s1, s0  }
0xbe: {  	s0 =	sadd.s32 $0x8F2B, s0  }
0xbf: {  	[sflag:s0] =	ssyncadd.remote.s32 $0x1  }
0xc0: {  	_ =	sfence.sel $0xFFFF  }
0xc1: {  	[dreg:$0x0] =	wrdreg $0xFFFFFFFF;
	(pc) =	sbr.abs _section_cstart, $3  }
0xc2: {  	[dreg:$0x1] =	wrdreg $0xFFFFFFFF  }
0xc3: {  	_ =	task.clear_ibuf [dreg:s8], $0x2FFFF;
	_ =	strace $0x9FFFFFFF  }
0xc4: {  	(tm) =	ssettm $0x7FFFFFFF  }
0xc5: {  	_ =	shalt  }
tec
execute0_lowered:
.L_overlay_start_1:
0x0: {  	(tag) =	ssettag $0x1  }
0x1: {  	s1 =	rddreg [dreg:$0x0]  }
0x2: {  	s0 =	srdreg.scid;
	s4 =	rddreg [dreg:$0x1]  }
0x3: {  	s2 =	stileid.u32;
	s3 =	rddreg [dreg:$0x2]  }
0x4: {  	s5 =	simm.s32 $0x0;
	s16 =	simm.s32 $0x50;
	s17 =	simm.s32 $0x4F00  }
0x5: {  	s18 =	simm.s32 $0x11700;
	s19 =	simm.s32 $0x7700;
	s21 =	simm.s32 $0x13F00  }
0x6: {  	s23 =	simm.s32 $0x9F00;
	s28 =	simm.s32 $0xC700;
	s30 =	simm.s32 $0x18F00  }
0x7: {  	s20 =	simm.s32 $0x1B700;
	s22 =	simm.s32 $0x1;
	s29 =	simm.s32 $0x1DF80  }
0x8: {  	s31 =	simm.s32 $0x3;
	s0 =	sand.u32 $0x1, s0;
	s2 =	sshll.u32 s2, $0x1  }
0x9: {  	s13 =	simm.s32 $0x4;
	s12 =	simm.s32 $0x5;
	s2 =	sor.u32 s0, s2  }
0xa: {  	[smem:$0x7FF] =	sst s5;
	s0 =	ssub.s32 $0x2, s0;
	s7 =	smul.u32 $0x2710, s2  }
0xb: {  	s9 =	simm.s32 $0x0;
	_ =	strace $0x80000047;
	s6 =	sshrl.u32 s0, $0x1  }
0xc: {  	s0 =	ssub.s32 s0, s6;
	s6 =	simm.s32 $0x1E100;
	s2 =	sshrl.u32 s7, $0x3  }
0xd: {  	s24 =	sadd.s32 $0x50, s7;
	s25 =	sadd.s32 $0xA0, s7;
	s26 =	sadd.s32 $0xF0, s7  }
0xe: {  	s10 =	smov.u32 s7;
	s11 =	sadd.s32 $0x140, s7;
	[dreg:$0x6] =	wrdreg s24  }
.Ltmp0:
0xf: {  	s0 =	smax.u32 s0, $0x1;
	[dreg:$0x7] =	wrdreg s25;
	(pc) =	sbr.rel .LBB2_1-.Ltmp0, $4  }
0x10: {  	s7 =	simm.s32 $0x1E080;
	s2 =	sadd.s32 s4, s2;
	[dreg:$0x8] =	wrdreg s26  }
0x11: {  	[dreg:$0x9] =	wrdreg s0;
	s25 =	simm.s32 $0x16700;
	s24 =	simm.s32 $0x1DF00  }
0x12: {  	s26 =	simm.s32 $0x2;
	[dreg:$0x4] =	wrdreg s2;
	s2 =	sadd.s32 $0x9E00, s2  }
0x13: {  	v0 =	vimm.f32 $0.0e+00;
	v1 =	vlaneseq.u32;
	s0 =	simm.s32 $0x1E000;
	[dreg:$0x5] =	wrdreg s2;
	s2 =	simm.s32 $0xEF00  }
.LBB2_14:
0x14: {  	s4 =	simm.s32 $0x6  }
0x15: {  	_ =	swait.ge [sflag:s4], $0x50  }
0x16: {  	[sflag:s4] =	ssyncset.done $0x0  }
0x17: {  	s8 =	simm.s32 $0x7;
	[sflag:s4] =	ssyncadd.s32 $0xFFFFFFB0  }
0x18: {  	_ =	swait.ge [sflag:s8], $0x50  }
0x19: {  	[sflag:s8] =	ssyncset.done $0x0  }
0x1a: {  	s9 =	simm.s32 $0x8;
	[sflag:s8] =	ssyncadd.s32 $0xFFFFFFB0  }
0x1b: {  	_ =	swait.ge [sflag:s9], $0x50  }
0x1c: {  	[sflag:s9] =	ssyncset.done $0x0  }
0x1d: {  	s14 =	simm.s32 $0x9;
	[sflag:s9] =	ssyncadd.s32 $0xFFFFFFB0  }
0x1e: {  	_ =	swait.ge [sflag:s14], $0x50  }
0x1f: {  	[sflag:s14] =	ssyncset.done $0x0  }
0x20: {  	s8 =	simm.s32 $0xA;
	[sflag:s14] =	ssyncadd.s32 $0xFFFFFFB0  }
0x21: {  	_ =	swait.ge [sflag:s8], $0x50  }
0x22: {  	s9 =	rddreg [dreg:$0xa]  }
0x23: {  	s15 =	rddreg [dreg:$0x9];
	s9 =	sadd.s32 $0x1, s9  }
0x24: {  	p0 =	sne.s32 s9, s15  }
.Ltmp1:
0x25: {  	_ = 	snop;
	(pc) =	sbr.rel @!p0 .LBB2_15-.Ltmp1, $3  }
0x26: {  	_ =	sdelay $0x1  }
0x27: {  	[sflag:s8] =	ssyncset.done $0x0  }
0x28: {  	[sflag:s8] =	ssyncadd.s32 $0xFFFFFFB0  }
.LBB2_1:
0x29: {  	[dreg:$0xa] =	wrdreg s9  }
0x2a: {  	s4 =	rddreg [dreg:$0x5]  }
0x2b: {  	[tilespmem:s5], [sflag:$0xB] =	stream.linear.gather [hbm4b:s4+s5], $0x2710, $0x38;
	[tilespmem:$0x1E180] =	vst v63  }
0x2c: {  	s9 =	rddreg [dreg:$0x4];
	s8 =	simm.s32 $0x2780;
	s14 =	simm.s32 $0xB  }
0x2d: {  	[tilespmem:s8], [sflag:$0xC] =	stream.linear.gather [hbm4b:s9+s5], $0x2710, $0x38;
	[tilespmem:$0x1E180] =	vst v63  }
0x2e: {  	_ =	swait.ge [sflag:s14], $0x2710  }
0x2f: {  	[sflag:s14] =	ssyncset.done $0x0  }
0x30: {  	s15 =	simm.s32 $0xC;
	[sflag:s14] =	ssyncadd.s32 $0xFFFFD8F0  }
0x31: {  	_ =	swait.ge [sflag:s15], $0x2710  }
0x32: {  	[sflag:s15] =	ssyncset.done $0x0  }
0x33: {  	[sflag:s15] =	ssyncadd.s32 $0xFFFFD8F0  }
0x34: {  	[tilespmem:s17], [sflag:$0x1] =	stream.indirect.gather [hbm4b:s1+s16], $0x80, s5, s16, $0xb8;
	[tilespmem:$0x1E180] =	vst v63  }
0x35: {  	_ = 	snop  }
0x36: {  	[tilespmem:s18], [sflag:$0x1] =	stream.indirect.gather [hbm4b:s1+s16], $0x80, s8, s16, $0xb8;
	[tilespmem:$0x1E180] =	vst v63  }
0x37: {  	_ = 	snop  }
0x38: {  	[tilespmem:s19], [sflag:$0x2] =	stream.indirect.gather [hbm4b:s1+s16], $0x80, s16, s16, $0xb8;
	[tilespmem:$0x1E180] =	vst v63  }
0x39: {  	s9 =	simm.s32 $0x27D0  }
0x3a: {  	[tilespmem:s21], [sflag:$0x2] =	stream.indirect.gather [hbm4b:s1+s16], $0x80, s9, s16, $0xb8;
	[tilespmem:$0x1E180] =	vst v63  }
0x3b: {  	s14 =	simm.s32 $0xA0  }
0x3c: {  	[tilespmem:s23], [sflag:$0x3] =	stream.indirect.gather [hbm4b:s1+s16], $0x80, s14, s16, $0xb8;
	[tilespmem:$0x1E180] =	vst v63  }
0x3d: {  	s15 =	simm.s32 $0x2820  }
0x3e: {  	[tilespmem:s25], [sflag:$0x3] =	stream.indirect.gather [hbm4b:s1+s16], $0x80, s15, s16, $0xb8;
	[tilespmem:$0x1E180] =	vst v63  }
0x3f: {  	s8 =	simm.s32 $0xF0  }
0x40: {  	[tilespmem:s28], [sflag:$0x4] =	stream.indirect.gather [hbm4b:s1+s16], $0x80, s8, s16, $0xb8;
	[tilespmem:$0x1E180] =	vst v63  }
0x41: {  	s9 =	simm.s32 $0x2870  }
0x42: {  	[tilespmem:s30], [sflag:$0x4] =	stream.indirect.gather [hbm4b:s1+s16], $0x80, s9, s16, $0xb8;
	[tilespmem:$0x1E180] =	vst v63  }
0x43: {  	s14 =	simm.s32 $0x140  }
0x44: {  	[tilespmem:s2], [sflag:$0x5] =	stream.indirect.gather [hbm4b:s1+s16], $0x80, s14, s16, $0xb8;
	[tilespmem:$0x1E180] =	vst v63  }
0x45: {  	s15 =	simm.s32 $0x28C0;
	s14 =	simm.s32 $0x0  }
0x46: {  	[tilespmem:s20], [sflag:$0x5] =	stream.indirect.gather [hbm4b:s1+s16], $0x80, s15, s16, $0xb8;
	[tilespmem:$0x1E180] =	vst v63  }
.LBB2_2:
0x47: {  	_ =	swait.ge [sflag:s22], $0x2800  }
0x48: {  	[sflag:s22] =	ssyncset.done $0x0  }
0x49: {  	[sflag:s22] =	ssyncadd.s32 $0xFFFFD800  }
0x4a: {  	_ =	swait.ge [sflag:s22], $0x2800  }
0x4b: {  	p0 =	seq.s32 s14, $0x0;
	[sflag:s22] =	ssyncset.done $0x0  }
0x4c: {  	s15 =	simm.s32 $0x0;
	s4 =	simm.s32 @!p0 $0x6;
	[sflag:s22] =	ssyncadd.s32 $0xFFFFD800  }
0x4d: {  	s8 =	sand.u32 $0x70, s15;
	s15 =	sand.u32 $0xF, s15;
	_ =	swait.ge @!p0 [sflag:s4], $0x50  }
0x4e: {  	v2 =	vor.u32 s8, v1;
	v3 =	vadd.s32 s15, v1;
	[sflag:s4] =	ssyncset.done @!p0 $0x0  }
0x4f: {  	v4 =	vand.u32 $0xF, v3;
	v5 =	vshll.u32 v2, $0x7;
	[sflag:s4] =	ssyncadd.s32 @!p0 $0xFFFFFFB0  }
0x50: {  	v4 =	vor.u32 v4, v5;
	[tilespmem:$0x1DF00] =	vst v0  }
0x51: {  	v5 =	vor.u32 v3, v5;
	[tilespmem:$0x1DF10] =	vst v0  }
0x52: {  	v3 =	vor.u32 $0x10, v5;
	[tilespmem:$0x1DF20] =	vst v0  }
0x53: {  	[tilespmem:$0x1DF30] =	vst v0  }
0x54: {  	v6 =	vor.u32 $0x20, v4;
	[tilespmem:$0x1DF40] =	vst v0  }
0x55: {  	v8 =	vld.idx.msk [tilespmem:v4+s17+$0x0], $0xffff  }
0x56: {  	v7 =	vor.u32 $0x30, v5;
	v10 =	vld.idx.msk [tilespmem:v4+s18+$0x0], $0xffff  }
0x57: {  	v12 =	vld.idx.msk [tilespmem:v3+s17+$0x0], $0xffff  }
0x58: {  	v13 =	vld.idx.msk [tilespmem:v3+s18+$0x0], $0xffff;
	v3 =	vor.u32 $0x40, v4  }
0x59: {  	v14 =	vld.idx.msk [tilespmem:v6+s17+$0x0], $0xffff  }
0x5a: {  	v9 =	vor.u32 $0x50, v5;
	v6 =	vld.idx.msk [tilespmem:v6+s18+$0x0], $0xffff  }
0x5b: {  	v15 =	vld.idx.msk [tilespmem:v7+s17+$0x0], $0xffff  }
0x5c: {  	s9 =	simm.s32 $0x1;
	v5 =	vor.u32 $0x70, v5;
	v16 =	vld.idx.msk [tilespmem:v7+s18+$0x0], $0xffff  }
0x5d: {  	s15 =	sand.u32 $0x70, s9;
	s4 =	sand.u32 $0xF, s9;
	v17 =	vld.idx.msk [tilespmem:v3+s17+$0x0], $0xffff  }
0x5e: {  	v4 =	vor.u32 $0x60, v4;
	v7 =	vadd.s32 s4, v1;
	v18 =	vld.idx.msk [tilespmem:v3+s18+$0x0], $0xffff;
	v3 =	vor.u32 s15, v1  }
0x5f: {  	v19 =	vld.idx.msk [tilespmem:v9+s17+$0x0], $0xffff;
	v11 =	vand.u32 $0xF, v7;
	v20 =	vshll.u32 v3, $0x7  }
0x60: {  	v21 =	vld.idx.msk [tilespmem:v9+s18+$0x0], $0xffff;
	v22 =	vor.u32 v11, v20  }
0x61: {  	v25 =	vld.idx.msk [tilespmem:v5+s17+$0x0], $0xffff;
	v7 =	vor.u32 v7, v20  }
0x62: {  	v27 =	vld.idx.msk [tilespmem:v5+s18+$0x0], $0xffff;
	v20 =	vor.u32 $0x10, v7  }
0x63: {  	v23 =	vld.idx.msk [tilespmem:v4+s17+$0x0], $0xffff  }
0x64: {  	v24 =	vld.idx.msk [tilespmem:v4+s18+$0x0], $0xffff;
	v26 =	vor.u32 $0x20, v22  }
0x65: {  	v9 =	vld.idx.msk [tilespmem:v22+s17+$0x0], $0xffff  }
0x66: {  	v28 =	vor.u32 $0x30, v7;
	v11 =	vld.idx.msk [tilespmem:v22+s18+$0x0], $0xffff  }
0x67: {  	v29 =	vmul.f32 v10, v8;
	v12 =	vmul.f32 v13, v12;
	v4 =	vld.idx.msk [tilespmem:v20+s17+$0x0], $0xffff  }
0x68: {  	v16 =	vmul.f32 v16, v15;
	v19 =	vmul.f32 v21, v19;
	v15 =	vor.u32 $0x40, v22;
	v5 =	vld.idx.msk [tilespmem:v20+s18+$0x0], $0xffff  }
0x69: {  	v18 =	vmul.f32 v18, v17;
	v20 =	vmul.f32 v6, v14;
	v6 =	vld.idx.msk [tilespmem:v26+s17+$0x0], $0xffff  }
0x6a: {  	v63 =	vmul.f32 v27, v25;
	v62 =	vmul.f32 v24, v23;
	v8 =	vld.idx.msk [tilespmem:v26+s18+$0x0], $0xffff;
	v14 =	vor.u32 $0x50, v7  }
0x6b: {  	v13 =	vadd.f32 v12, v29;
	v18 =	vadd.f32 v19, v18;
	v10 =	vld.idx.msk [tilespmem:v28+s17+$0x0], $0xffff  }
0x6c: {  	s15 =	simm.s32 $0x2;
	v19 =	vadd.f32 v63, v62;
	v12 =	vld.idx.msk [tilespmem:v28+s18+$0x0], $0xffff;
	v17 =	vadd.f32 v16, v20;
	v16 =	vor.u32 $0x60, v22  }
.LBB2_3:
0x6d: {  	p1 =	sne.s32 s15, $0x4F;
	v20 =	vld.idx.msk [tilespmem:v15+s17+$0x0], $0xffff  }
0x6e: {  	s4 =	sand.u32 $0x70, s15;
	s8 =	sand.u32 $0xF, s15;
	v13 =	vadd.f32 v17, v13;
	v21 =	vld.idx.msk [tilespmem:v15+s18+$0x0], $0xffff;
	v15 =	vadd.f32 v19, v18  }
0x6f: {  	v22 =	vor.u32 $0x70, v7;
	v17 =	vor.u32 s4, v1;
	v18 =	vadd.s32 s8, v1;
	v19 =	vld.idx.msk [tilespmem:v14+s17+$0x0], $0xffff  }
0x70: {  	v7 =	vand.u32 $0xF, v18;
	v23 =	vshll.u32 v17, $0x7;
	v14 =	vld.idx.msk [tilespmem:v14+s18+$0x0], $0xffff;
	v13 =	vadd.f32 v15, v13  }
0x71: {  	v24 =	vor.u32 v7, v23;
	v25 =	vld.idx.msk [tilespmem:v16+s17+$0x0], $0xffff  }
0x72: {  	v7 =	vor.u32 v18, v23;
	[tilespmem:v2+s24+$0x0] =	vst.idx.add.f32.msk $0xffff, v13;
	v2 =	vmov v3;
	v3 =	vmov v17  }
0x73: {  	v13 =	vor.u32 $0x10, v7;
	v16 =	vld.idx.msk [tilespmem:v16+s18+$0x0], $0xffff  }
0x74: {  	v17 =	vld.idx.msk [tilespmem:v22+s17+$0x0], $0xffff  }
0x75: {  	v18 =	vor.u32 $0x20, v24;
	v22 =	vld.idx.msk [tilespmem:v22+s18+$0x0], $0xffff  }
0x76: {  	v23 =	vld.idx.msk [tilespmem:v24+s17+$0x0], $0xffff  }
0x77: {  	v27 =	vor.u32 $0x30, v7;
	v26 =	vld.idx.msk [tilespmem:v24+s18+$0x0], $0xffff  }
0x78: {  	v9 =	vmul.f32 v11, v9;
	v11 =	vmul.f32 v5, v4;
	v4 =	vld.idx.msk [tilespmem:v13+s17+$0x0], $0xffff  }
.Ltmp2:
0x79: {  	v28 =	vmul.f32 v8, v6;
	v15 =	vor.u32 $0x40, v24;
	v12 =	vmul.f32 v12, v10;
	v5 =	vld.idx.msk [tilespmem:v13+s18+$0x0], $0xffff;
	(pc) =	sbr.rel @p1 .LBB2_3-.Ltmp2, $4  }
0x7a: {  	v20 =	vmul.f32 v21, v20;
	v19 =	vmul.f32 v14, v19;
	v6 =	vld.idx.msk [tilespmem:v18+s17+$0x0], $0xffff  }
0x7b: {  	v14 =	vor.u32 $0x50, v7;
	v21 =	vmul.f32 v16, v25;
	v22 =	vmul.f32 v22, v17;
	v8 =	vld.idx.msk [tilespmem:v18+s18+$0x0], $0xffff  }
0x7c: {  	v13 =	vadd.f32 v11, v9;
	v17 =	vadd.f32 v12, v28;
	v9 =	vmov v23;
	v10 =	vld.idx.msk [tilespmem:v27+s17+$0x0], $0xffff  }
0x7d: {  	s15 =	sadd.s32 $0x1, s15;
	v16 =	vor.u32 $0x60, v24;
	v18 =	vadd.f32 v19, v20;
	v19 =	vadd.f32 v22, v21;
	v11 =	vmovc v26;
	v12 =	vld.idx.msk [tilespmem:v27+s18+$0x0], $0xffff  }
0x7e: {  	_ =	sdelay $0x3  }
0x7f: {  	v20 =	vld.idx.msk [tilespmem:v15+s17+$0x0], $0xffff  }
0x80: {  	v15 =	vld.idx.msk [tilespmem:v15+s18+$0x0], $0xffff;
	v7 =	vor.u32 $0x70, v7  }
0x81: {  	v21 =	vld.idx.msk [tilespmem:v14+s17+$0x0], $0xffff  }
0x82: {  	v14 =	vld.idx.msk [tilespmem:v14+s18+$0x0], $0xffff  }
0x83: {  	v22 =	vld.idx.msk [tilespmem:v16+s17+$0x0], $0xffff  }
0x84: {  	v16 =	vld.idx.msk [tilespmem:v16+s18+$0x0], $0xffff  }
0x85: {  	v23 =	vld.idx.msk [tilespmem:v7+s17+$0x0], $0xffff  }
0x86: {  	v7 =	vld.idx.msk [tilespmem:v7+s18+$0x0], $0xffff;
	_ =	sdelay $0x1  }
0x87: {  	v9 =	vmul.f32 v11, v9;
	v4 =	vmul.f32 v5, v4  }
0x88: {  	v5 =	vmul.f32 v8, v6;
	v6 =	vmul.f32 v12, v10  }
0x89: {  	v8 =	vmul.f32 v15, v20;
	v10 =	vmul.f32 v14, v21  }
0x8a: {  	v11 =	vmul.f32 v16, v22;
	v7 =	vmul.f32 v7, v23  }
0x8b: {  	v4 =	vadd.f32 v4, v9;
	v5 =	vadd.f32 v6, v5  }
0x8c: {  	v6 =	vadd.f32 v10, v8;
	v7 =	vadd.f32 v7, v11  }
0x8d: {  	v9 =	vadd.f32 v19, v18;
	v8 =	vadd.f32 v17, v13  }
0x8e: {  	v4 =	vadd.f32 v5, v4;
	v5 =	vadd.f32 v7, v6  }
0x8f: {  	v6 =	vadd.f32 v9, v8  }
0x90: {  	v4 =	vadd.f32 v5, v4  }
0x91: {  	[tilespmem:v2+s24+$0x0] =	vst.idx.add.f32.msk $0xffff, v6  }
0x92: {  	[tilespmem:v3+s24+$0x0] =	vst.idx.add.f32.msk $0xffff, v4  }
0x93: {  	v2 =	vld [tilespmem:$0x1DF00];
	_ =	sdelay $0x4  }
0x94: {  	v2 =	vsub.f32 $0.0e+00, v2;
	_ =	sdelay $0x1  }
0x95: {  	v2 =	vmul.f32 $1.442695020e+00, v2;
	_ =	sdelay $0x1  }
0x96: {  	(erf) = vpow2.f32 v2;
	_ =	sdelay $0x3  }
0x97: {  	v2 =	vld [tilespmem:$0x1DF10];
	_ =	sdelay $0x4  }
0x98: {  	v2 =	vsub.f32 $0.0e+00, v2;
	v3 =	vpop (erf)  }
0x99: {  	v3 =	vadd.f32 $1.000000000e+00, v3  }
0x9a: {  	v2 =	vmul.f32 $1.442695020e+00, v2  }
0x9b: {  	(erf) = vrcp.f32 v3  }
0x9c: {  	(erf) = vpow2.f32 v2;
	_ =	sdelay $0x3  }
0x9d: {  	v2 =	vld [tilespmem:$0x1DF20];
	_ =	sdelay $0x3  }
0x9e: {  	v3 =	vpop (erf)  }
0x9f: {  	v2 =	vsub.f32 $0.0e+00, v2;
	v4 =	vpop (erf)  }
0xa0: {  	v4 =	vadd.f32 $1.000000000e+00, v4  }
0xa1: {  	v2 =	vmul.f32 $1.442695020e+00, v2  }
0xa2: {  	(erf) = vrcp.f32 v4  }
0xa3: {  	(erf) = vpow2.f32 v2;
	_ =	sdelay $0x3  }
0xa4: {  	v2 =	vld [tilespmem:$0x1DF30];
	_ =	sdelay $0x3  }
0xa5: {  	v4 =	vpop (erf)  }
0xa6: {  	v2 =	vsub.f32 $0.0e+00, v2;
	v5 =	vpop (erf)  }
0xa7: {  	v5 =	vadd.f32 $1.000000000e+00, v5  }
0xa8: {  	v2 =	vmul.f32 $1.442695020e+00, v2  }
0xa9: {  	(erf) = vrcp.f32 v5  }
0xaa: {  	(erf) = vpow2.f32 v2;
	_ =	sdelay $0x3  }
0xab: {  	v2 =	vld [tilespmem:$0x1DF40];
	_ =	sdelay $0x3  }
0xac: {  	v5 =	vpop (erf)  }
0xad: {  	v2 =	vsub.f32 $0.0e+00, v2;
	v6 =	vpop (erf)  }
0xae: {  	v6 =	vadd.f32 $1.000000000e+00, v6  }
0xaf: {  	v2 =	vmul.f32 $1.442695020e+00, v2  }
0xb0: {  	(erf) = vrcp.f32 v6  }
0xb1: {  	(erf) = vpow2.f32 v2;
	_ =	sdelay $0x7  }
0xb2: {  	v2 =	vpop (erf)  }
0xb3: {  	v6 =	vpop (erf)  }
0xb4: {  	v6 =	vadd.f32 $1.000000000e+00, v6;
	_ =	sdelay $0x1  }
0xb5: {  	(erf) = vrcp.f32 v6;
	_ =	sdelay $0x5  }
0xb6: {  	s15 =	smul.u32 $0x190, s14;
	[tilespmem:$0x1DF00] =	vst v3  }
0xb7: {  	[tilespmem:$0x1DF10] =	vst v4  }
0xb8: {  	s4 =	sadd.s32 s10, s15;
	[tilespmem:$0x1DF20] =	vst v5  }
0xb9: {  	s4 =	sshrl.u32 s4, $0x3;
	[tilespmem:$0x1DF30] =	vst v2;
	v2 =	vpop (erf)  }
0xba: {  	p1 =	seq.s32 s14, $0x18;
	s4 =	sadd.s32 s3, s4;
	[tilespmem:$0x1DF40] =	vst v2  }
0xbb: {  	[hbm4b:s4+s5] =	stream.linear.scatter [tilespmem:s24], [sflag:$0x6], $0x50, $0x38;
	[tilespmem:$0x1E180] =	vst v63  }
0xbc: {  	s8 =	simm.s32 @!p1 $0x50;
	s9 =	simm.s32 @!p1 $0x4F00;
	s4 =	sadd.s32 @!p1 $0x190, s15  }
0xbd: {  	[tilespmem:s9], [sflag:$0x1] =	stream.indirect.gather @!p1 [hbm4b:s1+s8], $0x80, s4, s8, $0xb8;
	[tilespmem:$0x1E180] =	vst v63  }
0xbe: {  	s4 =	sadd.s32 @!p1 $0x2910, s15;
	s9 =	simm.s32 @!p1 $0x11700  }
0xbf: {  	[tilespmem:s9], [sflag:$0x1] =	stream.indirect.gather @!p1 [hbm4b:s1+s8], $0x80, s4, s8, $0xb8;
	[tilespmem:$0x1E180] =	vst v63  }
0xc0: {  	_ =	swait.ge [sflag:s26], $0x2800  }
0xc1: {  	[sflag:s26] =	ssyncset.done $0x0  }
0xc2: {  	[sflag:s26] =	ssyncadd.s32 $0xFFFFD800  }
0xc3: {  	_ =	swait.ge [sflag:s26], $0x2800  }
0xc4: {  	[sflag:s26] =	ssyncset.done $0x0  }
0xc5: {  	s4 =	simm.s32 @!p0 $0x7;
	s8 =	simm.s32 $0x0;
	[sflag:s26] =	ssyncadd.s32 $0xFFFFD800  }
0xc6: {  	s9 =	sand.u32 $0x70, s8;
	s8 =	sand.u32 $0xF, s8;
	_ =	swait.ge @!p0 [sflag:s4], $0x50  }
0xc7: {  	v2 =	vor.u32 s9, v1;
	v3 =	vadd.s32 s8, v1;
	[sflag:s4] =	ssyncset.done @!p0 $0x0  }
0xc8: {  	v4 =	vand.u32 $0xF, v3;
	v5 =	vshll.u32 v2, $0x7;
	[sflag:s4] =	ssyncadd.s32 @!p0 $0xFFFFFFB0  }
0xc9: {  	v4 =	vor.u32 v4, v5;
	[tilespmem:$0x1DF80] =	vst v0  }
0xca: {  	v5 =	vor.u32 v3, v5;
	[tilespmem:$0x1DF90] =	vst v0  }
0xcb: {  	v3 =	vor.u32 $0x10, v5;
	[tilespmem:$0x1DFA0] =	vst v0  }
0xcc: {  	[tilespmem:$0x1DFB0] =	vst v0  }
0xcd: {  	v6 =	vor.u32 $0x20, v4;
	[tilespmem:$0x1DFC0] =	vst v0  }
0xce: {  	v8 =	vld.idx.msk [tilespmem:v4+s19+$0x0], $0xffff  }
0xcf: {  	v7 =	vor.u32 $0x30, v5;
	v10 =	vld.idx.msk [tilespmem:v4+s21+$0x0], $0xffff  }
0xd0: {  	v12 =	vld.idx.msk [tilespmem:v3+s19+$0x0], $0xffff  }
0xd1: {  	v13 =	vld.idx.msk [tilespmem:v3+s21+$0x0], $0xffff;
	v3 =	vor.u32 $0x40, v4  }
0xd2: {  	v14 =	vld.idx.msk [tilespmem:v6+s19+$0x0], $0xffff  }
0xd3: {  	v9 =	vor.u32 $0x50, v5;
	v6 =	vld.idx.msk [tilespmem:v6+s21+$0x0], $0xffff  }
0xd4: {  	v15 =	vld.idx.msk [tilespmem:v7+s19+$0x0], $0xffff  }
0xd5: {  	s8 =	simm.s32 $0x1;
	v5 =	vor.u32 $0x70, v5;
	v16 =	vld.idx.msk [tilespmem:v7+s21+$0x0], $0xffff  }
0xd6: {  	s9 =	sand.u32 $0x70, s8;
	s4 =	sand.u32 $0xF, s8;
	v17 =	vld.idx.msk [tilespmem:v3+s19+$0x0], $0xffff  }
0xd7: {  	v4 =	vor.u32 $0x60, v4;
	v7 =	vadd.s32 s4, v1;
	v18 =	vld.idx.msk [tilespmem:v3+s21+$0x0], $0xffff;
	v3 =	vor.u32 s9, v1  }
0xd8: {  	v19 =	vld.idx.msk [tilespmem:v9+s19+$0x0], $0xffff;
	v11 =	vand.u32 $0xF, v7;
	v20 =	vshll.u32 v3, $0x7  }
0xd9: {  	v59 =	vld.idx.msk [tilespmem:v9+s21+$0x0], $0xffff;
	v60 =	vor.u32 v11, v20  }
0xda: {  	v25 =	vld.idx.msk [tilespmem:v5+s19+$0x0], $0xffff;
	v7 =	vor.u32 v7, v20  }
0xdb: {  	v27 =	vld.idx.msk [tilespmem:v5+s21+$0x0], $0xffff;
	v20 =	vor.u32 $0x10, v7  }
0xdc: {  	v61 =	vld.idx.msk [tilespmem:v4+s19+$0x0], $0xffff  }
0xdd: {  	v24 =	vld.idx.msk [tilespmem:v4+s21+$0x0], $0xffff;
	v26 =	vor.u32 $0x20, v60  }
0xde: {  	v9 =	vld.idx.msk [tilespmem:v60+s19+$0x0], $0xffff  }
0xdf: {  	v28 =	vor.u32 $0x30, v7;
	v11 =	vld.idx.msk [tilespmem:v60+s21+$0x0], $0xffff  }
0xe0: {  	v29 =	vmul.f32 v10, v8;
	v12 =	vmul.f32 v13, v12;
	v4 =	vld.idx.msk [tilespmem:v20+s19+$0x0], $0xffff  }
0xe1: {  	v16 =	vmul.f32 v16, v15;
	v19 =	vmul.f32 v59, v19;
	v15 =	vor.u32 $0x40, v60;
	v5 =	vld.idx.msk [tilespmem:v20+s21+$0x0], $0xffff  }
0xe2: {  	v18 =	vmul.f32 v18, v17;
	v20 =	vmul.f32 v6, v14;
	v6 =	vld.idx.msk [tilespmem:v26+s19+$0x0], $0xffff  }
0xe3: {  	v63 =	vmul.f32 v27, v25;
	v62 =	vmul.f32 v24, v61;
	v8 =	vld.idx.msk [tilespmem:v26+s21+$0x0], $0xffff;
	v14 =	vor.u32 $0x50, v7  }
0xe4: {  	v13 =	vadd.f32 v12, v29;
	v18 =	vadd.f32 v19, v18;
	v10 =	vld.idx.msk [tilespmem:v28+s19+$0x0], $0xffff  }
0xe5: {  	s4 =	simm.s32 $0x2;
	v19 =	vadd.f32 v63, v62;
	v12 =	vld.idx.msk [tilespmem:v28+s21+$0x0], $0xffff;
	v17 =	vadd.f32 v16, v20;
	v16 =	vor.u32 $0x60, v60  }
.LBB2_5:
0xe6: {  	p2 =	sne.s32 s4, $0x4F;
	v20 =	vld.idx.msk [tilespmem:v15+s19+$0x0], $0xffff  }
0xe7: {  	s8 =	sand.u32 $0x70, s4;
	s9 =	sand.u32 $0xF, s4;
	v13 =	vadd.f32 v17, v13;
	v21 =	vld.idx.msk [tilespmem:v15+s21+$0x0], $0xffff;
	v15 =	vadd.f32 v19, v18  }
0xe8: {  	v22 =	vor.u32 $0x70, v7;
	v17 =	vor.u32 s8, v1;
	v18 =	vadd.s32 s9, v1;
	v19 =	vld.idx.msk [tilespmem:v14+s19+$0x0], $0xffff  }
0xe9: {  	v7 =	vand.u32 $0xF, v18;
	v23 =	vshll.u32 v17, $0x7;
	v14 =	vld.idx.msk [tilespmem:v14+s21+$0x0], $0xffff;
	v13 =	vadd.f32 v15, v13  }
0xea: {  	v24 =	vor.u32 v7, v23;
	v25 =	vld.idx.msk [tilespmem:v16+s19+$0x0], $0xffff  }
0xeb: {  	v7 =	vor.u32 v18, v23;
	[tilespmem:v2+s29+$0x0] =	vst.idx.add.f32.msk $0xffff, v13;
	v2 =	vmov v3;
	v3 =	vmov v17  }
0xec: {  	v13 =	vor.u32 $0x10, v7;
	v16 =	vld.idx.msk [tilespmem:v16+s21+$0x0], $0xffff  }
0xed: {  	v17 =	vld.idx.msk [tilespmem:v22+s19+$0x0], $0xffff  }
0xee: {  	v18 =	vor.u32 $0x20, v24;
	v22 =	vld.idx.msk [tilespmem:v22+s21+$0x0], $0xffff  }
0xef: {  	v23 =	vld.idx.msk [tilespmem:v24+s19+$0x0], $0xffff  }
0xf0: {  	v27 =	vor.u32 $0x30, v7;
	v26 =	vld.idx.msk [tilespmem:v24+s21+$0x0], $0xffff  }
0xf1: {  	v9 =	vmul.f32 v11, v9;
	v11 =	vmul.f32 v5, v4;
	v4 =	vld.idx.msk [tilespmem:v13+s19+$0x0], $0xffff  }
.Ltmp3:
0xf2: {  	v28 =	vmul.f32 v8, v6;
	v15 =	vor.u32 $0x40, v24;
	v12 =	vmul.f32 v12, v10;
	v5 =	vld.idx.msk [tilespmem:v13+s21+$0x0], $0xffff;
	(pc) =	sbr.rel @p2 .LBB2_5-.Ltmp3, $4  }
0xf3: {  	v20 =	vmul.f32 v21, v20;
	v19 =	vmul.f32 v14, v19;
	v6 =	vld.idx.msk [tilespmem:v18+s19+$0x0], $0xffff  }
0xf4: {  	v14 =	vor.u32 $0x50, v7;
	v21 =	vmul.f32 v16, v25;
	v22 =	vmul.f32 v22, v17;
	v8 =	vld.idx.msk [tilespmem:v18+s21+$0x0], $0xffff  }
0xf5: {  	v13 =	vadd.f32 v11, v9;
	v17 =	vadd.f32 v12, v28;
	v9 =	vmov v23;
	v10 =	vld.idx.msk [tilespmem:v27+s19+$0x0], $0xffff  }
0xf6: {  	s4 =	sadd.s32 $0x1, s4;
	v16 =	vor.u32 $0x60, v24;
	v18 =	vadd.f32 v19, v20;
	v19 =	vadd.f32 v22, v21;
	v11 =	vmovc v26;
	v12 =	vld.idx.msk [tilespmem:v27+s21+$0x0], $0xffff  }
0xf7: {  	_ =	sdelay $0x3  }
0xf8: {  	v20 =	vld.idx.msk [tilespmem:v15+s19+$0x0], $0xffff  }
0xf9: {  	v15 =	vld.idx.msk [tilespmem:v15+s21+$0x0], $0xffff;
	v7 =	vor.u32 $0x70, v7  }
0xfa: {  	v21 =	vld.idx.msk [tilespmem:v14+s19+$0x0], $0xffff  }
0xfb: {  	v14 =	vld.idx.msk [tilespmem:v14+s21+$0x0], $0xffff  }
0xfc: {  	v22 =	vld.idx.msk [tilespmem:v16+s19+$0x0], $0xffff  }
0xfd: {  	v16 =	vld.idx.msk [tilespmem:v16+s21+$0x0], $0xffff  }
0xfe: {  	v23 =	vld.idx.msk [tilespmem:v7+s19+$0x0], $0xffff  }
0xff: {  	v7 =	vld.idx.msk [tilespmem:v7+s21+$0x0], $0xffff;
	_ =	sdelay $0x1  }
0x100: {  	v9 =	vmul.f32 v11, v9;
	v4 =	vmul.f32 v5, v4  }
0x101: {  	v5 =	vmul.f32 v8, v6;
	v6 =	vmul.f32 v12, v10  }
0x102: {  	v8 =	vmul.f32 v15, v20;
	v10 =	vmul.f32 v14, v21  }
0x103: {  	v11 =	vmul.f32 v16, v22;
	v7 =	vmul.f32 v7, v23  }
0x104: {  	v4 =	vadd.f32 v4, v9;
	v5 =	vadd.f32 v6, v5  }
0x105: {  	v6 =	vadd.f32 v10, v8;
	v7 =	vadd.f32 v7, v11  }
0x106: {  	v9 =	vadd.f32 v19, v18;
	v8 =	vadd.f32 v17, v13  }
0x107: {  	v4 =	vadd.f32 v5, v4;
	v5 =	vadd.f32 v7, v6  }
0x108: {  	v6 =	vadd.f32 v9, v8  }
0x109: {  	v4 =	vadd.f32 v5, v4  }
0x10a: {  	[tilespmem:v2+s29+$0x0] =	vst.idx.add.f32.msk $0xffff, v6  }
0x10b: {  	[tilespmem:v3+s29+$0x0] =	vst.idx.add.f32.msk $0xffff, v4  }
0x10c: {  	v2 =	vld [tilespmem:$0x1DF80];
	_ =	sdelay $0x4  }
0x10d: {  	v2 =	vsub.f32 $0.0e+00, v2;
	_ =	sdelay $0x1  }
0x10e: {  	v2 =	vmul.f32 $1.442695020e+00, v2;
	_ =	sdelay $0x1  }
0x10f: {  	(erf) = vpow2.f32 v2;
	_ =	sdelay $0x3  }
0x110: {  	v2 =	vld [tilespmem:$0x1DF90];
	_ =	sdelay $0x4  }
0x111: {  	v2 =	vsub.f32 $0.0e+00, v2;
	v3 =	vpop (erf)  }
0x112: {  	v3 =	vadd.f32 $1.000000000e+00, v3  }
0x113: {  	v2 =	vmul.f32 $1.442695020e+00, v2  }
0x114: {  	(erf) = vrcp.f32 v3  }
0x115: {  	(erf) = vpow2.f32 v2;
	_ =	sdelay $0x3  }
0x116: {  	v2 =	vld [tilespmem:$0x1DFA0];
	_ =	sdelay $0x3  }
0x117: {  	v3 =	vpop (erf)  }
0x118: {  	v2 =	vsub.f32 $0.0e+00, v2;
	v4 =	vpop (erf)  }
0x119: {  	v4 =	vadd.f32 $1.000000000e+00, v4  }
0x11a: {  	v2 =	vmul.f32 $1.442695020e+00, v2  }
0x11b: {  	(erf) = vrcp.f32 v4  }
0x11c: {  	(erf) = vpow2.f32 v2;
	_ =	sdelay $0x3  }
0x11d: {  	v2 =	vld [tilespmem:$0x1DFB0];
	_ =	sdelay $0x3  }
0x11e: {  	v4 =	vpop (erf)  }
0x11f: {  	v2 =	vsub.f32 $0.0e+00, v2;
	v5 =	vpop (erf)  }
0x120: {  	v5 =	vadd.f32 $1.000000000e+00, v5  }
0x121: {  	v2 =	vmul.f32 $1.442695020e+00, v2  }
0x122: {  	(erf) = vrcp.f32 v5  }
0x123: {  	(erf) = vpow2.f32 v2;
	_ =	sdelay $0x3  }
0x124: {  	v2 =	vld [tilespmem:$0x1DFC0];
	_ =	sdelay $0x3  }
0x125: {  	v5 =	vpop (erf)  }
0x126: {  	v2 =	vsub.f32 $0.0e+00, v2;
	v6 =	vpop (erf)  }
0x127: {  	v6 =	vadd.f32 $1.000000000e+00, v6  }
0x128: {  	v2 =	vmul.f32 $1.442695020e+00, v2  }
0x129: {  	(erf) = vrcp.f32 v6  }
0x12a: {  	(erf) = vpow2.f32 v2;
	_ =	sdelay $0x7  }
0x12b: {  	v2 =	vpop (erf)  }
0x12c: {  	v6 =	vpop (erf)  }
0x12d: {  	v6 =	vadd.f32 $1.000000000e+00, v6;
	_ =	sdelay $0x1  }
0x12e: {  	(erf) = vrcp.f32 v6;
	_ =	sdelay $0x5  }
0x12f: {  	[tilespmem:$0x1DF80] =	vst v3  }
0x130: {  	s4 =	rddreg [dreg:$0x6];
	[tilespmem:$0x1DF90] =	vst v4  }
0x131: {  	s4 =	sadd.s32 s15, s4;
	[tilespmem:$0x1DFA0] =	vst v5  }
0x132: {  	s4 =	sshrl.u32 s4, $0x3;
	[tilespmem:$0x1DFB0] =	vst v2;
	v2 =	vpop (erf)  }
0x133: {  	s4 =	sadd.s32 s3, s4;
	[tilespmem:$0x1DFC0] =	vst v2  }
0x134: {  	[hbm4b:s4+s5] =	stream.linear.scatter [tilespmem:s29], [sflag:$0x7], $0x50, $0x38;
	[tilespmem:$0x1E180] =	vst v63  }
0x135: {  	s8 =	simm.s32 @!p1 $0x50;
	s9 =	simm.s32 @!p1 $0x7700;
	s4 =	sadd.s32 @!p1 $0x1E0, s15  }
0x136: {  	[tilespmem:s9], [sflag:$0x2] =	stream.indirect.gather @!p1 [hbm4b:s1+s8], $0x80, s4, s8, $0xb8;
	[tilespmem:$0x1E180] =	vst v63  }
0x137: {  	s4 =	sadd.s32 @!p1 $0x2960, s15;
	s9 =	simm.s32 @!p1 $0x13F00  }
0x138: {  	[tilespmem:s9], [sflag:$0x2] =	stream.indirect.gather @!p1 [hbm4b:s1+s8], $0x80, s4, s8, $0xb8;
	[tilespmem:$0x1E180] =	vst v63  }
0x139: {  	_ =	swait.ge [sflag:s31], $0x2800  }
0x13a: {  	[sflag:s31] =	ssyncset.done $0x0  }
0x13b: {  	[sflag:s31] =	ssyncadd.s32 $0xFFFFD800  }
0x13c: {  	_ =	swait.ge [sflag:s31], $0x2800  }
0x13d: {  	[sflag:s31] =	ssyncset.done $0x0  }
0x13e: {  	s4 =	simm.s32 @!p0 $0x8;
	s8 =	simm.s32 $0x0;
	[sflag:s31] =	ssyncadd.s32 $0xFFFFD800  }
0x13f: {  	s9 =	sand.u32 $0x70, s8;
	s8 =	sand.u32 $0xF, s8;
	_ =	swait.ge @!p0 [sflag:s4], $0x50  }
0x140: {  	v2 =	vor.u32 s9, v1;
	v3 =	vadd.s32 s8, v1;
	[sflag:s4] =	ssyncset.done @!p0 $0x0  }
0x141: {  	v4 =	vand.u32 $0xF, v3;
	v5 =	vshll.u32 v2, $0x7;
	[sflag:s4] =	ssyncadd.s32 @!p0 $0xFFFFFFB0  }
0x142: {  	v4 =	vor.u32 v4, v5;
	[tilespmem:$0x1E000] =	vst v0  }
0x143: {  	v5 =	vor.u32 v3, v5;
	[tilespmem:$0x1E010] =	vst v0  }
0x144: {  	v3 =	vor.u32 $0x10, v5;
	[tilespmem:$0x1E020] =	vst v0  }
0x145: {  	[tilespmem:$0x1E030] =	vst v0  }
0x146: {  	v6 =	vor.u32 $0x20, v4;
	[tilespmem:$0x1E040] =	vst v0  }
0x147: {  	v8 =	vld.idx.msk [tilespmem:v4+s23+$0x0], $0xffff  }
0x148: {  	v7 =	vor.u32 $0x30, v5;
	v10 =	vld.idx.msk [tilespmem:v4+s25+$0x0], $0xffff  }
0x149: {  	v12 =	vld.idx.msk [tilespmem:v3+s23+$0x0], $0xffff  }
0x14a: {  	v13 =	vld.idx.msk [tilespmem:v3+s25+$0x0], $0xffff;
	v3 =	vor.u32 $0x40, v4  }
0x14b: {  	v14 =	vld.idx.msk [tilespmem:v6+s23+$0x0], $0xffff  }
0x14c: {  	v9 =	vor.u32 $0x50, v5;
	v6 =	vld.idx.msk [tilespmem:v6+s25+$0x0], $0xffff  }
0x14d: {  	v15 =	vld.idx.msk [tilespmem:v7+s23+$0x0], $0xffff  }
0x14e: {  	s8 =	simm.s32 $0x1;
	v5 =	vor.u32 $0x70, v5;
	v16 =	vld.idx.msk [tilespmem:v7+s25+$0x0], $0xffff  }
0x14f: {  	s9 =	sand.u32 $0x70, s8;
	s4 =	sand.u32 $0xF, s8;
	v17 =	vld.idx.msk [tilespmem:v3+s23+$0x0], $0xffff  }
0x150: {  	v4 =	vor.u32 $0x60, v4;
	v7 =	vadd.s32 s4, v1;
	v18 =	vld.idx.msk [tilespmem:v3+s25+$0x0], $0xffff;
	v3 =	vor.u32 s9, v1  }
0x151: {  	v19 =	vld.idx.msk [tilespmem:v9+s23+$0x0], $0xffff;
	v11 =	vand.u32 $0xF, v7;
	v20 =	vshll.u32 v3, $0x7  }
0x152: {  	v59 =	vld.idx.msk [tilespmem:v9+s25+$0x0], $0xffff;
	v60 =	vor.u32 v11, v20  }
0x153: {  	v25 =	vld.idx.msk [tilespmem:v5+s23+$0x0], $0xffff;
	v7 =	vor.u32 v7, v20  }
0x154: {  	v27 =	vld.idx.msk [tilespmem:v5+s25+$0x0], $0xffff;
	v20 =	vor.u32 $0x10, v7  }
0x155: {  	v61 =	vld.idx.msk [tilespmem:v4+s23+$0x0], $0xffff  }
0x156: {  	v24 =	vld.idx.msk [tilespmem:v4+s25+$0x0], $0xffff;
	v26 =	vor.u32 $0x20, v60  }
0x157: {  	v9 =	vld.idx.msk [tilespmem:v60+s23+$0x0], $0xffff  }
0x158: {  	v28 =	vor.u32 $0x30, v7;
	v11 =	vld.idx.msk [tilespmem:v60+s25+$0x0], $0xffff  }
0x159: {  	v29 =	vmul.f32 v10, v8;
	v12 =	vmul.f32 v13, v12;
	v4 =	vld.idx.msk [tilespmem:v20+s23+$0x0], $0xffff  }
0x15a: {  	v16 =	vmul.f32 v16, v15;
	v19 =	vmul.f32 v59, v19;
	v15 =	vor.u32 $0x40, v60;
	v5 =	vld.idx.msk [tilespmem:v20+s25+$0x0], $0xffff  }
0x15b: {  	v18 =	vmul.f32 v18, v17;
	v20 =	vmul.f32 v6, v14;
	v6 =	vld.idx.msk [tilespmem:v26+s23+$0x0], $0xffff  }
0x15c: {  	v63 =	vmul.f32 v27, v25;
	v62 =	vmul.f32 v24, v61;
	v8 =	vld.idx.msk [tilespmem:v26+s25+$0x0], $0xffff;
	v14 =	vor.u32 $0x50, v7  }
0x15d: {  	v13 =	vadd.f32 v12, v29;
	v18 =	vadd.f32 v19, v18;
	v10 =	vld.idx.msk [tilespmem:v28+s23+$0x0], $0xffff  }
0x15e: {  	s4 =	simm.s32 $0x2;
	v19 =	vadd.f32 v63, v62;
	v12 =	vld.idx.msk [tilespmem:v28+s25+$0x0], $0xffff;
	v17 =	vadd.f32 v16, v20;
	v16 =	vor.u32 $0x60, v60  }
.LBB2_7:
0x15f: {  	p2 =	sne.s32 s4, $0x4F;
	v20 =	vld.idx.msk [tilespmem:v15+s23+$0x0], $0xffff  }
0x160: {  	s8 =	sand.u32 $0x70, s4;
	s9 =	sand.u32 $0xF, s4;
	v13 =	vadd.f32 v17, v13;
	v21 =	vld.idx.msk [tilespmem:v15+s25+$0x0], $0xffff;
	v15 =	vadd.f32 v19, v18  }
0x161: {  	v22 =	vor.u32 $0x70, v7;
	v17 =	vor.u32 s8, v1;
	v18 =	vadd.s32 s9, v1;
	v19 =	vld.idx.msk [tilespmem:v14+s23+$0x0], $0xffff  }
0x162: {  	v7 =	vand.u32 $0xF, v18;
	v23 =	vshll.u32 v17, $0x7;
	v14 =	vld.idx.msk [tilespmem:v14+s25+$0x0], $0xffff;
	v13 =	vadd.f32 v15, v13  }
0x163: {  	v24 =	vor.u32 v7, v23;
	v25 =	vld.idx.msk [tilespmem:v16+s23+$0x0], $0xffff  }
0x164: {  	v7 =	vor.u32 v18, v23;
	[tilespmem:v2+s0+$0x0] =	vst.idx.add.f32.msk $0xffff, v13;
	v2 =	vmov v3;
	v3 =	vmov v17  }
0x165: {  	v13 =	vor.u32 $0x10, v7;
	v16 =	vld.idx.msk [tilespmem:v16+s25+$0x0], $0xffff  }
0x166: {  	v17 =	vld.idx.msk [tilespmem:v22+s23+$0x0], $0xffff  }
0x167: {  	v18 =	vor.u32 $0x20, v24;
	v22 =	vld.idx.msk [tilespmem:v22+s25+$0x0], $0xffff  }
0x168: {  	v23 =	vld.idx.msk [tilespmem:v24+s23+$0x0], $0xffff  }
0x169: {  	v27 =	vor.u32 $0x30, v7;
	v26 =	vld.idx.msk [tilespmem:v24+s25+$0x0], $0xffff  }
0x16a: {  	v9 =	vmul.f32 v11, v9;
	v11 =	vmul.f32 v5, v4;
	v4 =	vld.idx.msk [tilespmem:v13+s23+$0x0], $0xffff  }
.Ltmp4:
0x16b: {  	v28 =	vmul.f32 v8, v6;
	v15 =	vor.u32 $0x40, v24;
	v12 =	vmul.f32 v12, v10;
	v5 =	vld.idx.msk [tilespmem:v13+s25+$0x0], $0xffff;
	(pc) =	sbr.rel @p2 .LBB2_7-.Ltmp4, $4  }
0x16c: {  	v20 =	vmul.f32 v21, v20;
	v19 =	vmul.f32 v14, v19;
	v6 =	vld.idx.msk [tilespmem:v18+s23+$0x0], $0xffff  }
0x16d: {  	v14 =	vor.u32 $0x50, v7;
	v21 =	vmul.f32 v16, v25;
	v22 =	vmul.f32 v22, v17;
	v8 =	vld.idx.msk [tilespmem:v18+s25+$0x0], $0xffff  }
0x16e: {  	v13 =	vadd.f32 v11, v9;
	v17 =	vadd.f32 v12, v28;
	v9 =	vmov v23;
	v10 =	vld.idx.msk [tilespmem:v27+s23+$0x0], $0xffff  }
0x16f: {  	s4 =	sadd.s32 $0x1, s4;
	v16 =	vor.u32 $0x60, v24;
	v18 =	vadd.f32 v19, v20;
	v19 =	vadd.f32 v22, v21;
	v11 =	vmovc v26;
	v12 =	vld.idx.msk [tilespmem:v27+s25+$0x0], $0xffff  }
0x170: {  	_ =	sdelay $0x3  }
0x171: {  	v20 =	vld.idx.msk [tilespmem:v15+s23+$0x0], $0xffff  }
0x172: {  	v15 =	vld.idx.msk [tilespmem:v15+s25+$0x0], $0xffff;
	v7 =	vor.u32 $0x70, v7  }
0x173: {  	v21 =	vld.idx.msk [tilespmem:v14+s23+$0x0], $0xffff  }
0x174: {  	v14 =	vld.idx.msk [tilespmem:v14+s25+$0x0], $0xffff  }
0x175: {  	v22 =	vld.idx.msk [tilespmem:v16+s23+$0x0], $0xffff  }
0x176: {  	v16 =	vld.idx.msk [tilespmem:v16+s25+$0x0], $0xffff  }
0x177: {  	v23 =	vld.idx.msk [tilespmem:v7+s23+$0x0], $0xffff  }
0x178: {  	v7 =	vld.idx.msk [tilespmem:v7+s25+$0x0], $0xffff;
	_ =	sdelay $0x1  }
0x179: {  	v9 =	vmul.f32 v11, v9;
	v4 =	vmul.f32 v5, v4  }
0x17a: {  	v5 =	vmul.f32 v8, v6;
	v6 =	vmul.f32 v12, v10  }
0x17b: {  	v8 =	vmul.f32 v15, v20;
	v10 =	vmul.f32 v14, v21  }
0x17c: {  	v11 =	vmul.f32 v16, v22;
	v7 =	vmul.f32 v7, v23  }
0x17d: {  	v4 =	vadd.f32 v4, v9;
	v5 =	vadd.f32 v6, v5  }
0x17e: {  	v6 =	vadd.f32 v10, v8;
	v7 =	vadd.f32 v7, v11  }
0x17f: {  	v9 =	vadd.f32 v19, v18;
	v8 =	vadd.f32 v17, v13  }
0x180: {  	v4 =	vadd.f32 v5, v4;
	v5 =	vadd.f32 v7, v6  }
0x181: {  	v6 =	vadd.f32 v9, v8  }
0x182: {  	v4 =	vadd.f32 v5, v4  }
0x183: {  	[tilespmem:v2+s0+$0x0] =	vst.idx.add.f32.msk $0xffff, v6  }
0x184: {  	[tilespmem:v3+s0+$0x0] =	vst.idx.add.f32.msk $0xffff, v4  }
0x185: {  	v2 =	vld [tilespmem:$0x1E000];
	_ =	sdelay $0x4  }
0x186: {  	v2 =	vsub.f32 $0.0e+00, v2;
	_ =	sdelay $0x1  }
0x187: {  	v2 =	vmul.f32 $1.442695020e+00, v2;
	_ =	sdelay $0x1  }
0x188: {  	(erf) = vpow2.f32 v2;
	_ =	sdelay $0x3  }
0x189: {  	v2 =	vld [tilespmem:$0x1E010];
	_ =	sdelay $0x4  }
0x18a: {  	v2 =	vsub.f32 $0.0e+00, v2;
	v3 =	vpop (erf)  }
0x18b: {  	v3 =	vadd.f32 $1.000000000e+00, v3  }
0x18c: {  	v2 =	vmul.f32 $1.442695020e+00, v2  }
0x18d: {  	(erf) = vrcp.f32 v3  }
0x18e: {  	(erf) = vpow2.f32 v2;
	_ =	sdelay $0x3  }
0x18f: {  	v2 =	vld [tilespmem:$0x1E020];
	_ =	sdelay $0x3  }
0x190: {  	v3 =	vpop (erf)  }
0x191: {  	v2 =	vsub.f32 $0.0e+00, v2;
	v4 =	vpop (erf)  }
0x192: {  	v4 =	vadd.f32 $1.000000000e+00, v4  }
0x193: {  	v2 =	vmul.f32 $1.442695020e+00, v2  }
0x194: {  	(erf) = vrcp.f32 v4  }
0x195: {  	(erf) = vpow2.f32 v2;
	_ =	sdelay $0x3  }
0x196: {  	v2 =	vld [tilespmem:$0x1E030];
	_ =	sdelay $0x3  }
0x197: {  	v4 =	vpop (erf)  }
0x198: {  	v2 =	vsub.f32 $0.0e+00, v2;
	v5 =	vpop (erf)  }
0x199: {  	v5 =	vadd.f32 $1.000000000e+00, v5  }
0x19a: {  	v2 =	vmul.f32 $1.442695020e+00, v2  }
0x19b: {  	(erf) = vrcp.f32 v5  }
0x19c: {  	(erf) = vpow2.f32 v2;
	_ =	sdelay $0x3  }
0x19d: {  	v2 =	vld [tilespmem:$0x1E040];
	_ =	sdelay $0x3  }
0x19e: {  	v5 =	vpop (erf)  }
0x19f: {  	v2 =	vsub.f32 $0.0e+00, v2;
	v6 =	vpop (erf)  }
0x1a0: {  	v6 =	vadd.f32 $1.000000000e+00, v6  }
0x1a1: {  	v2 =	vmul.f32 $1.442695020e+00, v2  }
0x1a2: {  	(erf) = vrcp.f32 v6  }
0x1a3: {  	(erf) = vpow2.f32 v2;
	_ =	sdelay $0x7  }
0x1a4: {  	v2 =	vpop (erf)  }
0x1a5: {  	v6 =	vpop (erf)  }
0x1a6: {  	v6 =	vadd.f32 $1.000000000e+00, v6;
	_ =	sdelay $0x1  }
0x1a7: {  	(erf) = vrcp.f32 v6;
	_ =	sdelay $0x5  }
0x1a8: {  	[tilespmem:$0x1E000] =	vst v3  }
0x1a9: {  	s4 =	rddreg [dreg:$0x7];
	[tilespmem:$0x1E010] =	vst v4  }
0x1aa: {  	s4 =	sadd.s32 s15, s4;
	[tilespmem:$0x1E020] =	vst v5  }
0x1ab: {  	s4 =	sshrl.u32 s4, $0x3;
	[tilespmem:$0x1E030] =	vst v2;
	v2 =	vpop (erf)  }
0x1ac: {  	s4 =	sadd.s32 s3, s4;
	[tilespmem:$0x1E040] =	vst v2  }
0x1ad: {  	[hbm4b:s4+s5] =	stream.linear.scatter [tilespmem:s0], [sflag:$0x8], $0x50, $0x38;
	[tilespmem:$0x1E180] =	vst v63  }
0x1ae: {  	s8 =	simm.s32 @!p1 $0x50;
	s9 =	simm.s32 @!p1 $0x9F00;
	s4 =	sadd.s32 @!p1 $0x230, s15  }
0x1af: {  	[tilespmem:s9], [sflag:$0x3] =	stream.indirect.gather @!p1 [hbm4b:s1+s8], $0x80, s4, s8, $0xb8;
	[tilespmem:$0x1E180] =	vst v63  }
0x1b0: {  	s4 =	sadd.s32 @!p1 $0x29B0, s15;
	s9 =	simm.s32 @!p1 $0x16700  }
0x1b1: {  	[tilespmem:s9], [sflag:$0x3] =	stream.indirect.gather @!p1 [hbm4b:s1+s8], $0x80, s4, s8, $0xb8;
	[tilespmem:$0x1E180] =	vst v63  }
0x1b2: {  	_ =	swait.ge [sflag:s13], $0x2800  }
0x1b3: {  	[sflag:s13] =	ssyncset.done $0x0  }
0x1b4: {  	[sflag:s13] =	ssyncadd.s32 $0xFFFFD800  }
0x1b5: {  	_ =	swait.ge [sflag:s13], $0x2800  }
0x1b6: {  	[sflag:s13] =	ssyncset.done $0x0  }
0x1b7: {  	s4 =	simm.s32 @!p0 $0x9;
	s8 =	simm.s32 $0x0;
	[sflag:s13] =	ssyncadd.s32 $0xFFFFD800  }
0x1b8: {  	s9 =	sand.u32 $0x70, s8;
	s8 =	sand.u32 $0xF, s8;
	_ =	swait.ge @!p0 [sflag:s4], $0x50  }
0x1b9: {  	v2 =	vor.u32 s9, v1;
	v3 =	vadd.s32 s8, v1;
	[sflag:s4] =	ssyncset.done @!p0 $0x0  }
0x1ba: {  	v4 =	vand.u32 $0xF, v3;
	v5 =	vshll.u32 v2, $0x7;
	[sflag:s4] =	ssyncadd.s32 @!p0 $0xFFFFFFB0  }
0x1bb: {  	v4 =	vor.u32 v4, v5;
	[tilespmem:$0x1E080] =	vst v0  }
0x1bc: {  	v5 =	vor.u32 v3, v5;
	[tilespmem:$0x1E090] =	vst v0  }
0x1bd: {  	v3 =	vor.u32 $0x10, v5;
	[tilespmem:$0x1E0A0] =	vst v0  }
0x1be: {  	[tilespmem:$0x1E0B0] =	vst v0  }
0x1bf: {  	v6 =	vor.u32 $0x20, v4;
	[tilespmem:$0x1E0C0] =	vst v0  }
0x1c0: {  	v8 =	vld.idx.msk [tilespmem:v4+s28+$0x0], $0xffff  }
0x1c1: {  	v7 =	vor.u32 $0x30, v5;
	v10 =	vld.idx.msk [tilespmem:v4+s30+$0x0], $0xffff  }
0x1c2: {  	v12 =	vld.idx.msk [tilespmem:v3+s28+$0x0], $0xffff  }
0x1c3: {  	v13 =	vld.idx.msk [tilespmem:v3+s30+$0x0], $0xffff;
	v3 =	vor.u32 $0x40, v4  }
0x1c4: {  	v14 =	vld.idx.msk [tilespmem:v6+s28+$0x0], $0xffff  }
0x1c5: {  	v9 =	vor.u32 $0x50, v5;
	v6 =	vld.idx.msk [tilespmem:v6+s30+$0x0], $0xffff  }
0x1c6: {  	v15 =	vld.idx.msk [tilespmem:v7+s28+$0x0], $0xffff  }
0x1c7: {  	s8 =	simm.s32 $0x1;
	v5 =	vor.u32 $0x70, v5;
	v16 =	vld.idx.msk [tilespmem:v7+s30+$0x0], $0xffff  }
0x1c8: {  	s9 =	sand.u32 $0x70, s8;
	s4 =	sand.u32 $0xF, s8;
	v17 =	vld.idx.msk [tilespmem:v3+s28+$0x0], $0xffff  }
0x1c9: {  	v4 =	vor.u32 $0x60, v4;
	v7 =	vadd.s32 s4, v1;
	v18 =	vld.idx.msk [tilespmem:v3+s30+$0x0], $0xffff;
	v3 =	vor.u32 s9, v1  }
0x1ca: {  	v19 =	vld.idx.msk [tilespmem:v9+s28+$0x0], $0xffff;
	v11 =	vand.u32 $0xF, v7;
	v20 =	vshll.u32 v3, $0x7  }
0x1cb: {  	v59 =	vld.idx.msk [tilespmem:v9+s30+$0x0], $0xffff;
	v60 =	vor.u32 v11, v20  }
0x1cc: {  	v25 =	vld.idx.msk [tilespmem:v5+s28+$0x0], $0xffff;
	v7 =	vor.u32 v7, v20  }
0x1cd: {  	v27 =	vld.idx.msk [tilespmem:v5+s30+$0x0], $0xffff;
	v20 =	vor.u32 $0x10, v7  }
0x1ce: {  	v61 =	vld.idx.msk [tilespmem:v4+s28+$0x0], $0xffff  }
0x1cf: {  	v24 =	vld.idx.msk [tilespmem:v4+s30+$0x0], $0xffff;
	v26 =	vor.u32 $0x20, v60  }
0x1d0: {  	v9 =	vld.idx.msk [tilespmem:v60+s28+$0x0], $0xffff  }
0x1d1: {  	v28 =	vor.u32 $0x30, v7;
	v11 =	vld.idx.msk [tilespmem:v60+s30+$0x0], $0xffff  }
0x1d2: {  	v29 =	vmul.f32 v10, v8;
	v12 =	vmul.f32 v13, v12;
	v4 =	vld.idx.msk [tilespmem:v20+s28+$0x0], $0xffff  }
0x1d3: {  	v16 =	vmul.f32 v16, v15;
	v19 =	vmul.f32 v59, v19;
	v15 =	vor.u32 $0x40, v60;
	v5 =	vld.idx.msk [tilespmem:v20+s30+$0x0], $0xffff  }
0x1d4: {  	v18 =	vmul.f32 v18, v17;
	v20 =	vmul.f32 v6, v14;
	v6 =	vld.idx.msk [tilespmem:v26+s28+$0x0], $0xffff  }
0x1d5: {  	v63 =	vmul.f32 v27, v25;
	v62 =	vmul.f32 v24, v61;
	v8 =	vld.idx.msk [tilespmem:v26+s30+$0x0], $0xffff;
	v14 =	vor.u32 $0x50, v7  }
0x1d6: {  	v13 =	vadd.f32 v12, v29;
	v18 =	vadd.f32 v19, v18;
	v10 =	vld.idx.msk [tilespmem:v28+s28+$0x0], $0xffff  }
0x1d7: {  	s4 =	simm.s32 $0x2;
	v19 =	vadd.f32 v63, v62;
	v12 =	vld.idx.msk [tilespmem:v28+s30+$0x0], $0xffff;
	v17 =	vadd.f32 v16, v20;
	v16 =	vor.u32 $0x60, v60  }
.LBB2_9:
0x1d8: {  	p2 =	sne.s32 s4, $0x4F;
	v20 =	vld.idx.msk [tilespmem:v15+s28+$0x0], $0xffff  }
0x1d9: {  	s8 =	sand.u32 $0x70, s4;
	s9 =	sand.u32 $0xF, s4;
	v13 =	vadd.f32 v17, v13;
	v21 =	vld.idx.msk [tilespmem:v15+s30+$0x0], $0xffff;
	v15 =	vadd.f32 v19, v18  }
0x1da: {  	v22 =	vor.u32 $0x70, v7;
	v17 =	vor.u32 s8, v1;
	v18 =	vadd.s32 s9, v1;
	v19 =	vld.idx.msk [tilespmem:v14+s28+$0x0], $0xffff  }
0x1db: {  	v7 =	vand.u32 $0xF, v18;
	v23 =	vshll.u32 v17, $0x7;
	v14 =	vld.idx.msk [tilespmem:v14+s30+$0x0], $0xffff;
	v13 =	vadd.f32 v15, v13  }
0x1dc: {  	v24 =	vor.u32 v7, v23;
	v25 =	vld.idx.msk [tilespmem:v16+s28+$0x0], $0xffff  }
0x1dd: {  	v7 =	vor.u32 v18, v23;
	[tilespmem:v2+s7+$0x0] =	vst.idx.add.f32.msk $0xffff, v13;
	v2 =	vmov v3;
	v3 =	vmov v17  }
0x1de: {  	v13 =	vor.u32 $0x10, v7;
	v16 =	vld.idx.msk [tilespmem:v16+s30+$0x0], $0xffff  }
0x1df: {  	v17 =	vld.idx.msk [tilespmem:v22+s28+$0x0], $0xffff  }
0x1e0: {  	v18 =	vor.u32 $0x20, v24;
	v22 =	vld.idx.msk [tilespmem:v22+s30+$0x0], $0xffff  }
0x1e1: {  	v23 =	vld.idx.msk [tilespmem:v24+s28+$0x0], $0xffff  }
0x1e2: {  	v27 =	vor.u32 $0x30, v7;
	v26 =	vld.idx.msk [tilespmem:v24+s30+$0x0], $0xffff  }
0x1e3: {  	v9 =	vmul.f32 v11, v9;
	v11 =	vmul.f32 v5, v4;
	v4 =	vld.idx.msk [tilespmem:v13+s28+$0x0], $0xffff  }
.Ltmp5:
0x1e4: {  	v28 =	vmul.f32 v8, v6;
	v15 =	vor.u32 $0x40, v24;
	v12 =	vmul.f32 v12, v10;
	v5 =	vld.idx.msk [tilespmem:v13+s30+$0x0], $0xffff;
	(pc) =	sbr.rel @p2 .LBB2_9-.Ltmp5, $4  }
0x1e5: {  	v20 =	vmul.f32 v21, v20;
	v19 =	vmul.f32 v14, v19;
	v6 =	vld.idx.msk [tilespmem:v18+s28+$0x0], $0xffff  }
0x1e6: {  	v14 =	vor.u32 $0x50, v7;
	v21 =	vmul.f32 v16, v25;
	v22 =	vmul.f32 v22, v17;
	v8 =	vld.idx.msk [tilespmem:v18+s30+$0x0], $0xffff  }
0x1e7: {  	v13 =	vadd.f32 v11, v9;
	v17 =	vadd.f32 v12, v28;
	v9 =	vmov v23;
	v10 =	vld.idx.msk [tilespmem:v27+s28+$0x0], $0xffff  }
0x1e8: {  	s4 =	sadd.s32 $0x1, s4;
	v16 =	vor.u32 $0x60, v24;
	v18 =	vadd.f32 v19, v20;
	v19 =	vadd.f32 v22, v21;
	v11 =	vmovc v26;
	v12 =	vld.idx.msk [tilespmem:v27+s30+$0x0], $0xffff  }
0x1e9: {  	_ =	sdelay $0x3  }
0x1ea: {  	v20 =	vld.idx.msk [tilespmem:v15+s28+$0x0], $0xffff  }
0x1eb: {  	v15 =	vld.idx.msk [tilespmem:v15+s30+$0x0], $0xffff;
	v7 =	vor.u32 $0x70, v7  }
0x1ec: {  	v21 =	vld.idx.msk [tilespmem:v14+s28+$0x0], $0xffff  }
0x1ed: {  	v14 =	vld.idx.msk [tilespmem:v14+s30+$0x0], $0xffff  }
0x1ee: {  	v22 =	vld.idx.msk [tilespmem:v16+s28+$0x0], $0xffff  }
0x1ef: {  	v16 =	vld.idx.msk [tilespmem:v16+s30+$0x0], $0xffff  }
0x1f0: {  	v23 =	vld.idx.msk [tilespmem:v7+s28+$0x0], $0xffff  }
0x1f1: {  	v7 =	vld.idx.msk [tilespmem:v7+s30+$0x0], $0xffff;
	_ =	sdelay $0x1  }
0x1f2: {  	v9 =	vmul.f32 v11, v9;
	v4 =	vmul.f32 v5, v4  }
0x1f3: {  	v5 =	vmul.f32 v8, v6;
	v6 =	vmul.f32 v12, v10  }
0x1f4: {  	v8 =	vmul.f32 v15, v20;
	v10 =	vmul.f32 v14, v21  }
0x1f5: {  	v11 =	vmul.f32 v16, v22;
	v7 =	vmul.f32 v7, v23  }
0x1f6: {  	v4 =	vadd.f32 v4, v9;
	v5 =	vadd.f32 v6, v5  }
0x1f7: {  	v6 =	vadd.f32 v10, v8;
	v7 =	vadd.f32 v7, v11  }
0x1f8: {  	v9 =	vadd.f32 v19, v18;
	v8 =	vadd.f32 v17, v13  }
0x1f9: {  	v4 =	vadd.f32 v5, v4;
	v5 =	vadd.f32 v7, v6  }
0x1fa: {  	v6 =	vadd.f32 v9, v8  }
0x1fb: {  	v4 =	vadd.f32 v5, v4  }
0x1fc: {  	[tilespmem:v2+s7+$0x0] =	vst.idx.add.f32.msk $0xffff, v6  }
0x1fd: {  	[tilespmem:v3+s7+$0x0] =	vst.idx.add.f32.msk $0xffff, v4  }
0x1fe: {  	v2 =	vld [tilespmem:$0x1E080];
	_ =	sdelay $0x4  }
0x1ff: {  	v2 =	vsub.f32 $0.0e+00, v2;
	_ =	sdelay $0x1  }
0x200: {  	v2 =	vmul.f32 $1.442695020e+00, v2;
	_ =	sdelay $0x1  }
0x201: {  	(erf) = vpow2.f32 v2;
	_ =	sdelay $0x3  }
0x202: {  	v2 =	vld [tilespmem:$0x1E090];
	_ =	sdelay $0x4  }
0x203: {  	v2 =	vsub.f32 $0.0e+00, v2;
	v3 =	vpop (erf)  }
0x204: {  	v3 =	vadd.f32 $1.000000000e+00, v3  }
0x205: {  	v2 =	vmul.f32 $1.442695020e+00, v2  }
0x206: {  	(erf) = vrcp.f32 v3  }
0x207: {  	(erf) = vpow2.f32 v2;
	_ =	sdelay $0x3  }
0x208: {  	v2 =	vld [tilespmem:$0x1E0A0];
	_ =	sdelay $0x3  }
0x209: {  	v3 =	vpop (erf)  }
0x20a: {  	v2 =	vsub.f32 $0.0e+00, v2;
	v4 =	vpop (erf)  }
0x20b: {  	v4 =	vadd.f32 $1.000000000e+00, v4  }
0x20c: {  	v2 =	vmul.f32 $1.442695020e+00, v2  }
0x20d: {  	(erf) = vrcp.f32 v4  }
0x20e: {  	(erf) = vpow2.f32 v2;
	_ =	sdelay $0x3  }
0x20f: {  	v2 =	vld [tilespmem:$0x1E0B0];
	_ =	sdelay $0x3  }
0x210: {  	v4 =	vpop (erf)  }
0x211: {  	v2 =	vsub.f32 $0.0e+00, v2;
	v5 =	vpop (erf)  }
0x212: {  	v5 =	vadd.f32 $1.000000000e+00, v5  }
0x213: {  	v2 =	vmul.f32 $1.442695020e+00, v2  }
0x214: {  	(erf) = vrcp.f32 v5  }
0x215: {  	(erf) = vpow2.f32 v2;
	_ =	sdelay $0x3  }
0x216: {  	v2 =	vld [tilespmem:$0x1E0C0];
	_ =	sdelay $0x3  }
0x217: {  	v5 =	vpop (erf)  }
0x218: {  	v2 =	vsub.f32 $0.0e+00, v2;
	v6 =	vpop (erf)  }
0x219: {  	v6 =	vadd.f32 $1.000000000e+00, v6  }
0x21a: {  	v2 =	vmul.f32 $1.442695020e+00, v2  }
0x21b: {  	(erf) = vrcp.f32 v6  }
0x21c: {  	(erf) = vpow2.f32 v2;
	_ =	sdelay $0x7  }
0x21d: {  	v2 =	vpop (erf)  }
0x21e: {  	v6 =	vpop (erf)  }
0x21f: {  	v6 =	vadd.f32 $1.000000000e+00, v6;
	_ =	sdelay $0x1  }
0x220: {  	(erf) = vrcp.f32 v6;
	_ =	sdelay $0x5  }
0x221: {  	[tilespmem:$0x1E080] =	vst v3  }
0x222: {  	s4 =	rddreg [dreg:$0x8];
	[tilespmem:$0x1E090] =	vst v4  }
0x223: {  	s4 =	sadd.s32 s15, s4;
	[tilespmem:$0x1E0A0] =	vst v5  }
0x224: {  	s4 =	sshrl.u32 s4, $0x3;
	[tilespmem:$0x1E0B0] =	vst v2;
	v2 =	vpop (erf)  }
0x225: {  	s4 =	sadd.s32 s3, s4;
	[tilespmem:$0x1E0C0] =	vst v2  }
0x226: {  	[hbm4b:s4+s5] =	stream.linear.scatter [tilespmem:s7], [sflag:$0x9], $0x50, $0x38;
	[tilespmem:$0x1E180] =	vst v63  }
0x227: {  	s8 =	simm.s32 @!p1 $0x50;
	s9 =	simm.s32 @!p1 $0xC700;
	s4 =	sadd.s32 @!p1 $0x280, s15  }
0x228: {  	[tilespmem:s9], [sflag:$0x4] =	stream.indirect.gather @!p1 [hbm4b:s1+s8], $0x80, s4, s8, $0xb8;
	[tilespmem:$0x1E180] =	vst v63  }
0x229: {  	s4 =	sadd.s32 @!p1 $0x2A00, s15;
	s9 =	simm.s32 @!p1 $0x18F00  }
0x22a: {  	[tilespmem:s9], [sflag:$0x4] =	stream.indirect.gather @!p1 [hbm4b:s1+s8], $0x80, s4, s8, $0xb8;
	[tilespmem:$0x1E180] =	vst v63  }
0x22b: {  	_ =	swait.ge [sflag:s12], $0x2800  }
0x22c: {  	[sflag:s12] =	ssyncset.done $0x0  }
0x22d: {  	[sflag:s12] =	ssyncadd.s32 $0xFFFFD800  }
0x22e: {  	_ =	swait.ge [sflag:s12], $0x2800  }
0x22f: {  	[sflag:s12] =	ssyncset.done $0x0  }
0x230: {  	s4 =	simm.s32 @!p0 $0xA;
	s8 =	simm.s32 $0x0;
	[sflag:s12] =	ssyncadd.s32 $0xFFFFD800  }
0x231: {  	s9 =	sand.u32 $0x70, s8;
	s8 =	sand.u32 $0xF, s8;
	_ =	swait.ge @!p0 [sflag:s4], $0x50  }
0x232: {  	v2 =	vor.u32 s9, v1;
	v3 =	vadd.s32 s8, v1;
	[sflag:s4] =	ssyncset.done @!p0 $0x0  }
0x233: {  	v4 =	vand.u32 $0xF, v3;
	v5 =	vshll.u32 v2, $0x7;
	[sflag:s4] =	ssyncadd.s32 @!p0 $0xFFFFFFB0  }
0x234: {  	v4 =	vor.u32 v4, v5;
	[tilespmem:$0x1E100] =	vst v0  }
0x235: {  	v5 =	vor.u32 v3, v5;
	[tilespmem:$0x1E110] =	vst v0  }
0x236: {  	v3 =	vor.u32 $0x10, v5;
	[tilespmem:$0x1E120] =	vst v0  }
0x237: {  	[tilespmem:$0x1E130] =	vst v0  }
0x238: {  	v6 =	vor.u32 $0x20, v4;
	[tilespmem:$0x1E140] =	vst v0  }
0x239: {  	v8 =	vld.idx.msk [tilespmem:v4+s2+$0x0], $0xffff  }
0x23a: {  	v7 =	vor.u32 $0x30, v5;
	v10 =	vld.idx.msk [tilespmem:v4+s20+$0x0], $0xffff  }
0x23b: {  	v12 =	vld.idx.msk [tilespmem:v3+s2+$0x0], $0xffff  }
0x23c: {  	v13 =	vld.idx.msk [tilespmem:v3+s20+$0x0], $0xffff;
	v3 =	vor.u32 $0x40, v4  }
0x23d: {  	v14 =	vld.idx.msk [tilespmem:v6+s2+$0x0], $0xffff  }
0x23e: {  	v9 =	vor.u32 $0x50, v5;
	v6 =	vld.idx.msk [tilespmem:v6+s20+$0x0], $0xffff  }
0x23f: {  	v15 =	vld.idx.msk [tilespmem:v7+s2+$0x0], $0xffff  }
0x240: {  	s8 =	simm.s32 $0x1;
	v5 =	vor.u32 $0x70, v5;
	v16 =	vld.idx.msk [tilespmem:v7+s20+$0x0], $0xffff  }
0x241: {  	s9 =	sand.u32 $0x70, s8;
	s4 =	sand.u32 $0xF, s8;
	v17 =	vld.idx.msk [tilespmem:v3+s2+$0x0], $0xffff  }
0x242: {  	v4 =	vor.u32 $0x60, v4;
	v7 =	vadd.s32 s4, v1;
	v18 =	vld.idx.msk [tilespmem:v3+s20+$0x0], $0xffff;
	v3 =	vor.u32 s9, v1  }
0x243: {  	v19 =	vld.idx.msk [tilespmem:v9+s2+$0x0], $0xffff;
	v11 =	vand.u32 $0xF, v7;
	v20 =	vshll.u32 v3, $0x7  }
0x244: {  	v59 =	vld.idx.msk [tilespmem:v9+s20+$0x0], $0xffff;
	v60 =	vor.u32 v11, v20  }
0x245: {  	v25 =	vld.idx.msk [tilespmem:v5+s2+$0x0], $0xffff;
	v7 =	vor.u32 v7, v20  }
0x246: {  	v27 =	vld.idx.msk [tilespmem:v5+s20+$0x0], $0xffff;
	v20 =	vor.u32 $0x10, v7  }
0x247: {  	v61 =	vld.idx.msk [tilespmem:v4+s2+$0x0], $0xffff  }
0x248: {  	v24 =	vld.idx.msk [tilespmem:v4+s20+$0x0], $0xffff;
	v26 =	vor.u32 $0x20, v60  }
0x249: {  	v9 =	vld.idx.msk [tilespmem:v60+s2+$0x0], $0xffff  }
0x24a: {  	v28 =	vor.u32 $0x30, v7;
	v11 =	vld.idx.msk [tilespmem:v60+s20+$0x0], $0xffff  }
0x24b: {  	v29 =	vmul.f32 v10, v8;
	v12 =	vmul.f32 v13, v12;
	v4 =	vld.idx.msk [tilespmem:v20+s2+$0x0], $0xffff  }
0x24c: {  	v16 =	vmul.f32 v16, v15;
	v19 =	vmul.f32 v59, v19;
	v15 =	vor.u32 $0x40, v60;
	v5 =	vld.idx.msk [tilespmem:v20+s20+$0x0], $0xffff  }
0x24d: {  	v18 =	vmul.f32 v18, v17;
	v20 =	vmul.f32 v6, v14;
	v6 =	vld.idx.msk [tilespmem:v26+s2+$0x0], $0xffff  }
0x24e: {  	v63 =	vmul.f32 v27, v25;
	v62 =	vmul.f32 v24, v61;
	v8 =	vld.idx.msk [tilespmem:v26+s20+$0x0], $0xffff;
	v14 =	vor.u32 $0x50, v7  }
0x24f: {  	v13 =	vadd.f32 v12, v29;
	v18 =	vadd.f32 v19, v18;
	v10 =	vld.idx.msk [tilespmem:v28+s2+$0x0], $0xffff  }
0x250: {  	s4 =	simm.s32 $0x2;
	v19 =	vadd.f32 v63, v62;
	v12 =	vld.idx.msk [tilespmem:v28+s20+$0x0], $0xffff;
	v17 =	vadd.f32 v16, v20;
	v16 =	vor.u32 $0x60, v60  }
.LBB2_11:
0x251: {  	p0 =	sne.s32 s4, $0x4F;
	v20 =	vld.idx.msk [tilespmem:v15+s2+$0x0], $0xffff  }
0x252: {  	s8 =	sand.u32 $0x70, s4;
	s9 =	sand.u32 $0xF, s4;
	v13 =	vadd.f32 v17, v13;
	v21 =	vld.idx.msk [tilespmem:v15+s20+$0x0], $0xffff;
	v15 =	vadd.f32 v19, v18  }
0x253: {  	v22 =	vor.u32 $0x70, v7;
	v17 =	vor.u32 s8, v1;
	v18 =	vadd.s32 s9, v1;
	v19 =	vld.idx.msk [tilespmem:v14+s2+$0x0], $0xffff  }
0x254: {  	v7 =	vand.u32 $0xF, v18;
	v23 =	vshll.u32 v17, $0x7;
	v14 =	vld.idx.msk [tilespmem:v14+s20+$0x0], $0xffff;
	v13 =	vadd.f32 v15, v13  }
0x255: {  	v24 =	vor.u32 v7, v23;
	v25 =	vld.idx.msk [tilespmem:v16+s2+$0x0], $0xffff  }
0x256: {  	v7 =	vor.u32 v18, v23;
	[tilespmem:v2+s6+$0x0] =	vst.idx.add.f32.msk $0xffff, v13;
	v2 =	vmov v3;
	v3 =	vmov v17  }
0x257: {  	v13 =	vor.u32 $0x10, v7;
	v16 =	vld.idx.msk [tilespmem:v16+s20+$0x0], $0xffff  }
0x258: {  	v17 =	vld.idx.msk [tilespmem:v22+s2+$0x0], $0xffff  }
0x259: {  	v18 =	vor.u32 $0x20, v24;
	v22 =	vld.idx.msk [tilespmem:v22+s20+$0x0], $0xffff  }
0x25a: {  	v23 =	vld.idx.msk [tilespmem:v24+s2+$0x0], $0xffff  }
0x25b: {  	v27 =	vor.u32 $0x30, v7;
	v26 =	vld.idx.msk [tilespmem:v24+s20+$0x0], $0xffff  }
0x25c: {  	v9 =	vmul.f32 v11, v9;
	v11 =	vmul.f32 v5, v4;
	v4 =	vld.idx.msk [tilespmem:v13+s2+$0x0], $0xffff  }
.Ltmp6:
0x25d: {  	v28 =	vmul.f32 v8, v6;
	v15 =	vor.u32 $0x40, v24;
	v12 =	vmul.f32 v12, v10;
	v5 =	vld.idx.msk [tilespmem:v13+s20+$0x0], $0xffff;
	(pc) =	sbr.rel @p0 .LBB2_11-.Ltmp6, $4  }
0x25e: {  	v20 =	vmul.f32 v21, v20;
	v19 =	vmul.f32 v14, v19;
	v6 =	vld.idx.msk [tilespmem:v18+s2+$0x0], $0xffff  }
0x25f: {  	v14 =	vor.u32 $0x50, v7;
	v21 =	vmul.f32 v16, v25;
	v22 =	vmul.f32 v22, v17;
	v8 =	vld.idx.msk [tilespmem:v18+s20+$0x0], $0xffff  }
0x260: {  	v13 =	vadd.f32 v11, v9;
	v17 =	vadd.f32 v12, v28;
	v9 =	vmov v23;
	v10 =	vld.idx.msk [tilespmem:v27+s2+$0x0], $0xffff  }
0x261: {  	s4 =	sadd.s32 $0x1, s4;
	v16 =	vor.u32 $0x60, v24;
	v18 =	vadd.f32 v19, v20;
	v19 =	vadd.f32 v22, v21;
	v11 =	vmovc v26;
	v12 =	vld.idx.msk [tilespmem:v27+s20+$0x0], $0xffff  }
0x262: {  	_ =	sdelay $0x3  }
0x263: {  	v20 =	vld.idx.msk [tilespmem:v15+s2+$0x0], $0xffff  }
0x264: {  	v47 =	vld.idx.msk [tilespmem:v15+s20+$0x0], $0xffff;
	v7 =	vor.u32 $0x70, v7  }
0x265: {  	v21 =	vld.idx.msk [tilespmem:v14+s2+$0x0], $0xffff  }
0x266: {  	v48 =	vld.idx.msk [tilespmem:v14+s20+$0x0], $0xffff  }
0x267: {  	v22 =	vld.idx.msk [tilespmem:v16+s2+$0x0], $0xffff  }
0x268: {  	v49 =	vld.idx.msk [tilespmem:v16+s20+$0x0], $0xffff  }
0x269: {  	v23 =	vld.idx.msk [tilespmem:v7+s2+$0x0], $0xffff  }
0x26a: {  	v7 =	vld.idx.msk [tilespmem:v7+s20+$0x0], $0xffff;
	_ =	sdelay $0x1  }
0x26b: {  	v9 =	vmul.f32 v11, v9;
	v4 =	vmul.f32 v5, v4  }
0x26c: {  	v50 =	vmul.f32 v8, v6;
	v51 =	vmul.f32 v12, v10  }
0x26d: {  	v52 =	vmul.f32 v47, v20;
	v53 =	vmul.f32 v48, v21  }
0x26e: {  	v54 =	vmul.f32 v49, v22;
	v7 =	vmul.f32 v7, v23  }
0x26f: {  	v4 =	vadd.f32 v4, v9;
	v5 =	vadd.f32 v51, v50  }
0x270: {  	v55 =	vadd.f32 v53, v52;
	v7 =	vadd.f32 v7, v54  }
0x271: {  	v56 =	vadd.f32 v17, v13;
	v57 =	vadd.f32 v19, v18  }
0x272: {  	v4 =	vadd.f32 v5, v4;
	v58 =	vadd.f32 v7, v55  }
0x273: {  	v59 =	vadd.f32 v57, v56  }
0x274: {  	v4 =	vadd.f32 v58, v4  }
0x275: {  	[tilespmem:v2+s6+$0x0] =	vst.idx.add.f32.msk $0xffff, v59  }
0x276: {  	[tilespmem:v3+s6+$0x0] =	vst.idx.add.f32.msk $0xffff, v4  }
0x277: {  	v2 =	vld [tilespmem:$0x1E100];
	_ =	sdelay $0x4  }
0x278: {  	v2 =	vsub.f32 $0.0e+00, v2;
	_ =	sdelay $0x1  }
0x279: {  	v2 =	vmul.f32 $1.442695020e+00, v2;
	_ =	sdelay $0x1  }
0x27a: {  	(erf) = vpow2.f32 v2;
	_ =	sdelay $0x3  }
0x27b: {  	v2 =	vld [tilespmem:$0x1E110];
	_ =	sdelay $0x4  }
0x27c: {  	v2 =	vsub.f32 $0.0e+00, v2;
	v3 =	vpop (erf)  }
0x27d: {  	v3 =	vadd.f32 $1.000000000e+00, v3  }
0x27e: {  	v2 =	vmul.f32 $1.442695020e+00, v2  }
0x27f: {  	(erf) = vrcp.f32 v3  }
0x280: {  	(erf) = vpow2.f32 v2;
	_ =	sdelay $0x3  }
0x281: {  	v2 =	vld [tilespmem:$0x1E120];
	_ =	sdelay $0x3  }
0x282: {  	v3 =	vpop (erf)  }
0x283: {  	v2 =	vsub.f32 $0.0e+00, v2;
	v60 =	vpop (erf)  }
0x284: {  	v4 =	vadd.f32 $1.000000000e+00, v60  }
0x285: {  	v2 =	vmul.f32 $1.442695020e+00, v2  }
0x286: {  	(erf) = vrcp.f32 v4  }
0x287: {  	(erf) = vpow2.f32 v2;
	_ =	sdelay $0x3  }
0x288: {  	v2 =	vld [tilespmem:$0x1E130];
	_ =	sdelay $0x3  }
0x289: {  	v4 =	vpop (erf)  }
0x28a: {  	v2 =	vsub.f32 $0.0e+00, v2;
	v61 =	vpop (erf)  }
0x28b: {  	v5 =	vadd.f32 $1.000000000e+00, v61  }
0x28c: {  	v2 =	vmul.f32 $1.442695020e+00, v2  }
0x28d: {  	(erf) = vrcp.f32 v5  }
0x28e: {  	(erf) = vpow2.f32 v2;
	_ =	sdelay $0x3  }
0x28f: {  	v2 =	vld [tilespmem:$0x1E140];
	_ =	sdelay $0x3  }
0x290: {  	v5 =	vpop (erf)  }
0x291: {  	v2 =	vsub.f32 $0.0e+00, v2;
	v62 =	vpop (erf)  }
0x292: {  	v6 =	vadd.f32 $1.000000000e+00, v62  }
0x293: {  	v2 =	vmul.f32 $1.442695020e+00, v2  }
0x294: {  	(erf) = vrcp.f32 v6  }
0x295: {  	(erf) = vpow2.f32 v2;
	_ =	sdelay $0x7  }
0x296: {  	v2 =	vpop (erf)  }
0x297: {  	v63 =	vpop (erf)  }
0x298: {  	v6 =	vadd.f32 $1.000000000e+00, v63;
	_ =	sdelay $0x1  }
0x299: {  	(erf) = vrcp.f32 v6;
	_ =	sdelay $0x5  }
0x29a: {  	[tilespmem:$0x1E100] =	vst v3  }
.Ltmp7:
0x29b: {  	[tilespmem:$0x1E110] =	vst v4;
	(pc) =	sbr.rel @p1 .LBB2_14-.Ltmp7, $4  }
0x29c: {  	s4 =	sadd.s32 s15, s11;
	[tilespmem:$0x1E120] =	vst v5  }
0x29d: {  	s4 =	sshrl.u32 s4, $0x3;
	[tilespmem:$0x1E130] =	vst v2;
	v2 =	vpop (erf)  }
0x29e: {  	s4 =	sadd.s32 s3, s4;
	[tilespmem:$0x1E140] =	vst v2  }
0x29f: {  	[hbm4b:s4+s5] =	stream.linear.scatter [tilespmem:s6], [sflag:$0xA], $0x50, $0x38;
	[tilespmem:$0x1E180] =	vst v63  }
.Ltmp8:
0x2a0: {  	(pc) =	sbr.rel .LBB2_2-.Ltmp8, $4  }
0x2a1: {  	s4 =	sadd.s32 $0x2D0, s15  }
0x2a2: {  	[tilespmem:s2], [sflag:$0x5] =	stream.indirect.gather [hbm4b:s1+s16], $0x80, s4, s16, $0xb8;
	[tilespmem:$0x1E180] =	vst v63  }
0x2a3: {  	s15 =	sadd.s32 $0x2A50, s15;
	s14 =	sadd.s32 $0x1, s14  }
0x2a4: {  	[tilespmem:s20], [sflag:$0x5] =	stream.indirect.gather [hbm4b:s1+s16], $0x80, s15, s16, $0xb8;
	[tilespmem:$0x1E180] =	vst v63  }
.LBB2_15:
0x2a5: {  	_ =	sfence.sel $0x180000  }
0x2a6: {  	[bflag:$0x0] =	sbarrier.arrive $0xFFFF  }
0x2a7: {  	_ =	strace $0x90000047  }
0x2a8: {  	s0 =	stileid.u32;
	[bflag:$0x2] =	sbarrier.arrive $0xFFFF  }
0x2a9: {  	p0 =	sne.s32 s0, $0x0;
	s0 =	rddreg [dreg:$0x3]  }
0x2aa: {  	s0 =	sadd.s32 @!p0 $0x100000, s0  }
0x2ab: {  	[sflag:s0] =	ssyncadd.tile.s32 @!p0 $0x1;
	_ =	shalt  }
.Lfunc_end2:
_tile_overlayer_lowered:
.L_overlay_start_2:
0x2ac: {  	(tag) =	ssettag $0x2  }
0x2ad: {  	s0 =	rddreg [dreg:$0x0];
	s2 =	stileid.u32  }
0x2ae: {  	s1 =	rddreg [dreg:$0x1];
	p0 =	sne.s32 s2, $0x0  }
0x2af: {  	s3 =	rddreg [dreg:$0x2];
	[bflag:$0x3] =	sbarrier.arrive $0xFFFF;
	s2 =	simm.s32 @!p0 $0x1C0D  }
0x2b0: {  	[timem:s3], [sflag:s2] =	dma.local @!p0 [hbm:s0], s1  }
0x2b1: {  	s0 =	simm.s32 @!p0 $0xD  }
0x2b2: {  	_ =	swait.ge @!p0 [sflag:s0], s1  }
0x2b3: {  	s1 =	ssub.s32 @!p0 $0x0, s1;
	[sflag:s0] =	ssyncset.done @!p0 $0x0  }
0x2b4: {  	[sflag:s0] =	ssyncadd.s32 @!p0 s1  }
0x2b5: {  	[bflag:$0x3] =	sbarrier.arrive $0xFFFF  }
0x2b6: {  	_ =	shalt  }

</sc_bundles>
